<compile_context>
chip_gen: v7x
topology: tpu7x:2x2x1
jax: 0.10.2.dev20260603
libtpu: 0.0.44.dev20260713+nightly
codegen_flags: <defaults>
</compile_context>

<pallas_src>
import functools

import jax
import jax.numpy as jnp
from jax import lax
from jax.experimental import pallas as pl
from jax.experimental.pallas import tpu as pltpu
from jax.experimental.pallas import tpu_sc as plsc

B = 4096
D = 64
K = 32
T = D * K
L = 64

NC = 2
NS = 16
NW = NC * NS
RPW = B // NW
RB = 8
NG = RPW // RB
LCH = L // 16


def _sc_body(pred_hbm, dem_hbm, nb_hbm, cap_hbm, t2l_hbm, out_hbm,
             t2l_v, cap_v, dem_v, nb_v, pred_v, acc_v, out_v, sem):
    cid = lax.axis_index("c")
    sid = lax.axis_index("s")
    wid = sid * NC + cid
    base = wid * RPW

    pltpu.sync_copy(t2l_hbm, t2l_v)
    pltpu.sync_copy(cap_hbm, cap_v)
    pltpu.sync_copy(dem_hbm.at[pl.ds(base, RPW)], dem_v)
    pltpu.sync_copy(nb_hbm.at[pl.ds(base, RPW)], nb_v)

    inv_cap = [1.0 / (cap_v[pl.ds(16 * j, 16)] + 1e-8) for j in range(LCH)]
    zeros16 = jnp.zeros((16,), jnp.float32)

    def block_body(g, carry):
        vs, ms, cs_vec = carry
        pltpu.sync_copy(pred_hbm.at[pl.ds(base + g * RB, RB)], pred_v)
        for r in range(RB):
            row = g * RB + r
            for j in range(LCH):
                acc_v[pl.ds(16 * j, 16)] = zeros16

            row_splat = jnp.full((16,), row, jnp.int32)

            def chunk_body(d, _):
                dsplat = plsc.load_gather(
                    dem_v, [row_splat, jnp.full((16,), d, jnp.int32)])
                for h in range(2):
                    off = 32 * d + 16 * h
                    links = t2l_v[pl.ds(off, 16)]
                    tt = pred_v[r, pl.ds(off, 16)] * dsplat
                    plsc.addupdate_scatter(acc_v, [links], tt)
                return 0

            lax.fori_loop(0, D, chunk_body, 0)

            lt = [acc_v[pl.ds(16 * j, 16)] for j in range(LCH)]
            u = [lt[j] * inv_cap[j] for j in range(LCH)]
            nb = [nb_v[row, pl.ds(16 * j, 16)] for j in range(LCH)]
            usum = (u[0] + u[1]) + (u[2] + u[3])
            usq = (u[0] * u[0] + u[1] * u[1]) + (u[2] * u[2] + u[3] * u[3])
            umax = jnp.maximum(jnp.maximum(u[0], u[1]), jnp.maximum(u[2], u[3]))
            ltsum = (lt[0] + lt[1]) + (lt[2] + lt[3])
            nbsum = (nb[0] + nb[1]) + (nb[2] + nb[3])
            dot = (lt[0] * nb[0] + lt[1] * nb[1]) + (lt[2] * nb[2] + lt[3] * nb[3])

            s = jnp.sum(usum)
            q = jnp.sum(usq)
            m = jnp.max(umax)
            ts = jnp.sum(ltsum)
            ns = jnp.sum(nbsum)
            dp = jnp.sum(dot)

            vs = vs + (q - s * s * (1.0 / L)) * (1.0 / (L - 1))
            ms = ms + m
            denom = (ts + 1e-8) * (ns + 1e-8)
            cs_vec = cs_vec + jnp.full((16,), dp) / jnp.full((16,), denom)
        return vs, ms, cs_vec

    vs, ms, cs_vec = lax.fori_loop(
        0, NG, block_body,
        (jnp.float32(0.0), jnp.float32(0.0), jnp.zeros((16,), jnp.float32)))

    lane = lax.iota(jnp.int32, 16)
    vec = jnp.where(lane == 0, jnp.full((16,), vs),
                    jnp.where(lane == 1, jnp.full((16,), ms),
                              jnp.where(lane == 2, cs_vec,
                                        jnp.zeros((16,), jnp.float32))))
    out_v[...] = vec
    pltpu.sync_copy(out_v, out_hbm.at[wid])


@jax.jit
def _sc_loss(pred_ratios, demands, neighbor_loads, link_capacities, tunnel_to_link):
    mesh = plsc.VectorSubcoreMesh(core_axis_name="c", subcore_axis_name="s")
    partials = pl.kernel(
        _sc_body,
        out_type=jax.ShapeDtypeStruct((NW, 16), jnp.float32),
        mesh=mesh,
        compiler_params=pltpu.CompilerParams(needs_layout_passes=False),
        scratch_types=[
            pltpu.VMEM((T,), jnp.int32),
            pltpu.VMEM((L,), jnp.float32),
            pltpu.VMEM((RPW, D), jnp.float32),
            pltpu.VMEM((RPW, L), jnp.float32),
            pltpu.VMEM((RB, T), jnp.float32),
            pltpu.VMEM((L,), jnp.float32),
            pltpu.VMEM((16,), jnp.float32),
            pltpu.SemaphoreType.DMA,
        ],
    )(pred_ratios, demands, neighbor_loads, link_capacities, tunnel_to_link)
    vs = jnp.sum(partials[:, 0])
    ms = jnp.sum(partials[:, 1])
    cs = jnp.sum(partials[:, 2])
    return (vs + 0.5 * ms + 0.3 * cs) * (1.0 / B)


def kernel(pred_ratios, demands, neighbor_loads, link_capacities, tunnel_to_link, group_indices):
    del group_indices
    return _sc_loss(pred_ratios, demands, neighbor_loads, link_capacities,
                    tunnel_to_link)

# --- scband reference (transcript-rebuilt; emitter-appended) ---
"""Pipeline reference for scband-neighbor-aware-loss-76347338654269 (READ-ONLY COPY).

The authoritative reference and input builder live on the scoring server;
editing this copy changes nothing except your own understanding.
"""

import jax, jax.numpy as jnp
import numpy as np

B = 4096
D = 64          # num destinations
K = 32          # tunnels per destination
T = D * K       # total tunnels = 2048
L = 64          # num outgoing links


def setup_inputs(seed: int = 0) -> dict:
    key = jax.random.key(seed)
    k1, k2, k3, k4, k5 = jax.random.split(key, 5)
    pred_ratios = jax.random.uniform(k1, (B, T), dtype=jnp.float32)
    demands = jax.random.uniform(k2, (B, D), dtype=jnp.float32) * 100.0
    neighbor_loads = jax.random.uniform(k3, (B, L), dtype=jnp.float32)
    # buffers (registered in __init__ of the torch module)
    tunnel_to_link = jax.random.randint(k4, (T,), 0, L, dtype=jnp.int32)
    link_capacities = jax.random.uniform(k5, (L,), dtype=jnp.float32) * 1000.0 + 100.0
    group_indices = (jnp.arange(D + 1, dtype=jnp.int32) * K)
    return {
        "pred_ratios": pred_ratios,
        "demands": demands,
        "neighbor_loads": neighbor_loads,
        "link_capacities": link_capacities,
        "tunnel_to_link": tunnel_to_link,
        "group_indices": group_indices,
    }


def reference(pred_ratios, demands, neighbor_loads, link_capacities, tunnel_to_link, group_indices):
    batch_size, num_tunnels = pred_ratios.shape
    num_links = link_capacities.shape[0]
    # map each tunnel to its destination group (equivalent to the per-dst loop)
    dst_of_tunnel = jnp.searchsorted(group_indices, jnp.arange(num_tunnels), side="right") - 1
    # tunnel_traffic[b, t] = demands[b, dst(t)] * pred_ratios[b, t]
    tunnel_traffic = jnp.take(demands, dst_of_tunnel, axis=1) * pred_ratios
    # scatter-add tunnel traffic into links (segment reduce by tunnel_to_link)
    link_traffic = jnp.zeros((batch_size, num_links), dtype=pred_ratios.dtype).at[:, tunnel_to_link].add(tunnel_traffic)
    link_utilization = link_traffic / (link_capacities[None, :] + 1e-08)
    # torch.var default is unbiased (ddof=1)
    variance_loss = jnp.var(link_utilization, axis=1, ddof=1).mean()
    max_util_loss = jnp.max(link_utilization, axis=1).mean()
    real_neighbor_loads = neighbor_loads[:, :num_links]
    neighbor_load_sum = real_neighbor_loads.sum(axis=1, keepdims=True) + 1e-08
    neighbor_load_normalized = real_neighbor_loads / neighbor_load_sum
    traffic_sum = link_traffic.sum(axis=1, keepdims=True) + 1e-08
    traffic_normalized = link_traffic / traffic_sum
    congestion_penalty = (traffic_normalized * neighbor_load_normalized).sum(axis=1).mean()
    loss = variance_loss + 0.5 * max_util_loss + 0.3 * congestion_penalty
    return loss

if __name__ == "__main__":
    import jax
    _d = setup_inputs()
    print(jax.jit(kernel)(*tuple(_d.values())))

</pallas_src>

<mosaic_0001>
#map = affine_map<(d0, d1) -> (0, 0)>
#map1 = affine_map<(d0, d1) -> (0)>
module attributes {stable_mosaic.version = 14 : i64} {
  func.func @_sc_body(%arg0: i32, %arg1: i32, %arg2: memref<4096x2048xf32, #tpu.memory_space<hbm>>, %arg3: memref<4096x64xf32, #tpu.memory_space<hbm>>, %arg4: memref<4096x64xf32, #tpu.memory_space<hbm>>, %arg5: memref<64xf32, #tpu.memory_space<hbm>>, %arg6: memref<2048xi32, #tpu.memory_space<hbm>>, %arg7: memref<32x16xf32, #tpu.memory_space<hbm>>, %arg8: memref<2048xi32, #tpu.memory_space<vmem>>, %arg9: memref<64xf32, #tpu.memory_space<vmem>>, %arg10: memref<128x64xf32, #tpu.memory_space<vmem>>, %arg11: memref<128x64xf32, #tpu.memory_space<vmem>>, %arg12: memref<8x2048xf32, #tpu.memory_space<vmem>>, %arg13: memref<64xf32, #tpu.memory_space<vmem>>, %arg14: memref<16xf32, #tpu.memory_space<vmem>>, %arg15: memref<!tpu.dma_semaphore, #tpu.memory_space<semaphore_mem>>) attributes {dimension_semantics = [#tpu.dimension_semantics<core_parallel>, #tpu.dimension_semantics<subcore_parallel>], iteration_bounds = array<i64: 2, 16>, scalar_prefetch = 0 : i64, scratch_operands = 8 : i64, tpu.core_type = #tpu.core_type<sc_vector_subcore>, window_params = [{transform_indices = #map}, {transform_indices = #map}, {transform_indices = #map}, {transform_indices = #map1}, {transform_indices = #map1}, {transform_indices = #map}]} {
    %mul3A = arith.constant 2 : i32
    %mul3A_0 = arith.muli %arg1, %mul3A : i32
    %add3A = arith.addi %mul3A_0, %arg0 : i32
    %mul3A_1 = arith.constant 128 : i32
    %mul3A_2 = arith.muli %add3A, %mul3A_1 : i32
    "tpu.region"() ({
      %run_scoped3A = tpu.sem_alloc : memref<!tpu.dma_semaphore, #tpu.memory_space<semaphore_mem>>
      tpu.enqueue_dma source(%arg6 : memref<2048xi32, #tpu.memory_space<hbm>>) target(%arg8 : memref<2048xi32, #tpu.memory_space<vmem>>) target_semaphore(%run_scoped3A : memref<!tpu.dma_semaphore, #tpu.memory_space<semaphore_mem>>)
      tpu.wait_dma2 semaphore(%run_scoped3A : memref<!tpu.dma_semaphore, #tpu.memory_space<semaphore_mem>>) src(%arg6 : memref<2048xi32, #tpu.memory_space<hbm>>) dst(%arg8 : memref<2048xi32, #tpu.memory_space<vmem>>)
      tpu.yield
    }) : () -> ()
    "tpu.region"() ({
      %run_scoped3A = tpu.sem_alloc : memref<!tpu.dma_semaphore, #tpu.memory_space<semaphore_mem>>
      tpu.enqueue_dma source(%arg5 : memref<64xf32, #tpu.memory_space<hbm>>) target(%arg9 : memref<64xf32, #tpu.memory_space<vmem>>) target_semaphore(%run_scoped3A : memref<!tpu.dma_semaphore, #tpu.memory_space<semaphore_mem>>)
      tpu.wait_dma2 semaphore(%run_scoped3A : memref<!tpu.dma_semaphore, #tpu.memory_space<semaphore_mem>>) src(%arg5 : memref<64xf32, #tpu.memory_space<hbm>>) dst(%arg9 : memref<64xf32, #tpu.memory_space<vmem>>)
      tpu.yield
    }) : () -> ()
    "tpu.region"() ({
      %run_scoped3A = tpu.sem_alloc : memref<!tpu.dma_semaphore, #tpu.memory_space<semaphore_mem>>
      %dma_start3A = arith.constant 0 : i32
      %dma_start3A_58 = tpu.memref_slice %arg3[%mul3A_2, %dma_start3A] : memref<4096x64xf32, #tpu.memory_space<hbm>> -> memref<128x64xf32, #tpu.memory_space<hbm>>
      %dma_start3A_59 = arith.constant 0 : i32
      %dma_start3A_60 = tpu.memref_slice %arg3[%mul3A_2, %dma_start3A_59] : memref<4096x64xf32, #tpu.memory_space<hbm>> -> memref<128x64xf32, #tpu.memory_space<hbm>>
      tpu.enqueue_dma source(%dma_start3A_60 : memref<128x64xf32, #tpu.memory_space<hbm>>) target(%arg10 : memref<128x64xf32, #tpu.memory_space<vmem>>) target_semaphore(%run_scoped3A : memref<!tpu.dma_semaphore, #tpu.memory_space<semaphore_mem>>)
      %dma_wait3A = arith.constant 0 : i32
      %dma_wait3A_61 = tpu.memref_slice %arg3[%mul3A_2, %dma_wait3A] : memref<4096x64xf32, #tpu.memory_space<hbm>> -> memref<128x64xf32, #tpu.memory_space<hbm>>
      %dma_wait3A_62 = arith.constant 0 : i32
      %dma_wait3A_63 = tpu.memref_slice %arg3[%mul3A_2, %dma_wait3A_62] : memref<4096x64xf32, #tpu.memory_space<hbm>> -> memref<128x64xf32, #tpu.memory_space<hbm>>
      tpu.wait_dma2 semaphore(%run_scoped3A : memref<!tpu.dma_semaphore, #tpu.memory_space<semaphore_mem>>) src(%dma_wait3A_63 : memref<128x64xf32, #tpu.memory_space<hbm>>) dst(%arg10 : memref<128x64xf32, #tpu.memory_space<vmem>>)
      tpu.yield
    }) : () -> ()
    "tpu.region"() ({
      %run_scoped3A = tpu.sem_alloc : memref<!tpu.dma_semaphore, #tpu.memory_space<semaphore_mem>>
      %dma_start3A = arith.constant 0 : i32
      %dma_start3A_58 = tpu.memref_slice %arg4[%mul3A_2, %dma_start3A] : memref<4096x64xf32, #tpu.memory_space<hbm>> -> memref<128x64xf32, #tpu.memory_space<hbm>>
      %dma_start3A_59 = arith.constant 0 : i32
      %dma_start3A_60 = tpu.memref_slice %arg4[%mul3A_2, %dma_start3A_59] : memref<4096x64xf32, #tpu.memory_space<hbm>> -> memref<128x64xf32, #tpu.memory_space<hbm>>
      tpu.enqueue_dma source(%dma_start3A_60 : memref<128x64xf32, #tpu.memory_space<hbm>>) target(%arg11 : memref<128x64xf32, #tpu.memory_space<vmem>>) target_semaphore(%run_scoped3A : memref<!tpu.dma_semaphore, #tpu.memory_space<semaphore_mem>>)
      %dma_wait3A = arith.constant 0 : i32
      %dma_wait3A_61 = tpu.memref_slice %arg4[%mul3A_2, %dma_wait3A] : memref<4096x64xf32, #tpu.memory_space<hbm>> -> memref<128x64xf32, #tpu.memory_space<hbm>>
      %dma_wait3A_62 = arith.constant 0 : i32
      %dma_wait3A_63 = tpu.memref_slice %arg4[%mul3A_2, %dma_wait3A_62] : memref<4096x64xf32, #tpu.memory_space<hbm>> -> memref<128x64xf32, #tpu.memory_space<hbm>>
      tpu.wait_dma2 semaphore(%run_scoped3A : memref<!tpu.dma_semaphore, #tpu.memory_space<semaphore_mem>>) src(%dma_wait3A_63 : memref<128x64xf32, #tpu.memory_space<hbm>>) dst(%arg11 : memref<128x64xf32, #tpu.memory_space<vmem>>)
      tpu.yield
    }) : () -> ()
    %get3A = arith.constant 0 : index
    %get3A_3 = tpu.vector_load %arg9[%get3A] {strides = array<i32>} : memref<64xf32, #tpu.memory_space<vmem>>, vector<16xf32>,
    %add3A_4 = arith.constant 9.99999993E-9 : f32
    %add3A_5 = vector.broadcast %add3A_4 : f32 to vector<16xf32>
    %add3A_6 = arith.addf %get3A_3, %add3A_5 : vector<16xf32>
    %div3A = arith.constant 1.000000e+00 : f32
    %div3A_7 = vector.broadcast %div3A : f32 to vector<16xf32>
    %div3A_8 = arith.divf %div3A_7, %add3A_6 : vector<16xf32>
    %get3A_9 = arith.constant 16 : index
    %get3A_10 = tpu.vector_load %arg9[%get3A_9] {strides = array<i32>} : memref<64xf32, #tpu.memory_space<vmem>>, vector<16xf32>,
    %add3A_11 = arith.constant 9.99999993E-9 : f32
    %add3A_12 = vector.broadcast %add3A_11 : f32 to vector<16xf32>
    %add3A_13 = arith.addf %get3A_10, %add3A_12 : vector<16xf32>
    %div3A_14 = arith.constant 1.000000e+00 : f32
    %div3A_15 = vector.broadcast %div3A_14 : f32 to vector<16xf32>
    %div3A_16 = arith.divf %div3A_15, %add3A_13 : vector<16xf32>
    %get3A_17 = arith.constant 32 : index
    %get3A_18 = tpu.vector_load %arg9[%get3A_17] {strides = array<i32>} : memref<64xf32, #tpu.memory_space<vmem>>, vector<16xf32>,
    %add3A_19 = arith.constant 9.99999993E-9 : f32
    %add3A_20 = vector.broadcast %add3A_19 : f32 to vector<16xf32>
    %add3A_21 = arith.addf %get3A_18, %add3A_20 : vector<16xf32>
    %div3A_22 = arith.constant 1.000000e+00 : f32
    %div3A_23 = vector.broadcast %div3A_22 : f32 to vector<16xf32>
    %div3A_24 = arith.divf %div3A_23, %add3A_21 : vector<16xf32>
    %get3A_25 = arith.constant 48 : index
    %get3A_26 = tpu.vector_load %arg9[%get3A_25] {strides = array<i32>} : memref<64xf32, #tpu.memory_space<vmem>>, vector<16xf32>,
    %add3A_27 = arith.constant 9.99999993E-9 : f32
    %add3A_28 = vector.broadcast %add3A_27 : f32 to vector<16xf32>
    %add3A_29 = arith.addf %get3A_26, %add3A_28 : vector<16xf32>
    %div3A_30 = arith.constant 1.000000e+00 : f32
    %div3A_31 = vector.broadcast %div3A_30 : f32 to vector<16xf32>
    %div3A_32 = arith.divf %div3A_31, %add3A_29 : vector<16xf32>
    %broadcast_in_dim3A = arith.constant 0.000000e+00 : f32
    %broadcast_in_dim3A_33 = vector.broadcast %broadcast_in_dim3A : f32 to vector<16xf32>
    %broadcast_in_dim3A_34 = arith.constant 0.000000e+00 : f32
    %broadcast_in_dim3A_35 = vector.broadcast %broadcast_in_dim3A_34 : f32 to vector<16xf32>
    %scan3A = arith.constant 0.000000e+00 : f32
    %scan3A_36 = arith.constant 0.000000e+00 : f32
    %scan3A_37 = arith.constant 0 : i32
    %scan3A_38 = arith.constant 16 : i32
    %scan3A_39 = arith.addi %scan3A_37, %scan3A_38 : i32
    %scan3A_40 = arith.constant 1 : i32
    %scan3A_41:3 = scf.for %scan3A_58 = %scan3A_37 to %scan3A_39 step %scan3A_40 iter_args(%scan3A_59 = %scan3A, %scan3A_60 = %scan3A_36, %scan3A_61 = %broadcast_in_dim3A_35) -> (f32, f32, vector<16xf32>)  : i32 {
      %mul3A_62 = arith.constant 8 : i32
      %mul3A_63 = arith.muli %scan3A_58, %mul3A_62 : i32
      %add3A_64 = arith.addi %mul3A_2, %mul3A_63 : i32
      "tpu.region"() ({
        %run_scoped3A = tpu.sem_alloc : memref<!tpu.dma_semaphore, #tpu.memory_space<semaphore_mem>>
        %dma_start3A = arith.constant 0 : i32
        %dma_start3A_949 = tpu.memref_slice %arg2[%add3A_64, %dma_start3A] : memref<4096x2048xf32, #tpu.memory_space<hbm>> -> memref<8x2048xf32, #tpu.memory_space<hbm>>
        %dma_start3A_950 = arith.constant 0 : i32
        %dma_start3A_951 = tpu.memref_slice %arg2[%add3A_64, %dma_start3A_950] : memref<4096x2048xf32, #tpu.memory_space<hbm>> -> memref<8x2048xf32, #tpu.memory_space<hbm>>
        tpu.enqueue_dma source(%dma_start3A_951 : memref<8x2048xf32, #tpu.memory_space<hbm>>) target(%arg12 : memref<8x2048xf32, #tpu.memory_space<vmem>>) target_semaphore(%run_scoped3A : memref<!tpu.dma_semaphore, #tpu.memory_space<semaphore_mem>>)
        %dma_wait3A = arith.constant 0 : i32
        %dma_wait3A_952 = tpu.memref_slice %arg2[%add3A_64, %dma_wait3A] : memref<4096x2048xf32, #tpu.memory_space<hbm>> -> memref<8x2048xf32, #tpu.memory_space<hbm>>
        %dma_wait3A_953 = arith.constant 0 : i32
        %dma_wait3A_954 = tpu.memref_slice %arg2[%add3A_64, %dma_wait3A_953] : memref<4096x2048xf32, #tpu.memory_space<hbm>> -> memref<8x2048xf32, #tpu.memory_space<hbm>>
        tpu.wait_dma2 semaphore(%run_scoped3A : memref<!tpu.dma_semaphore, #tpu.memory_space<semaphore_mem>>) src(%dma_wait3A_954 : memref<8x2048xf32, #tpu.memory_space<hbm>>) dst(%arg12 : memref<8x2048xf32, #tpu.memory_space<vmem>>)
        tpu.yield
      }) : () -> ()
      %mul3A_65 = arith.constant 8 : i32
      %mul3A_66 = arith.muli %scan3A_58, %mul3A_65 : i32
      %add3A_67 = arith.constant 0 : i32
      %add3A_68 = arith.addi %mul3A_66, %add3A_67 : i32
      %swap3A_69 = arith.constant 0 : index
      %swap3A_70 = tpu.vector_load %arg13[%swap3A_69] {strides = array<i32>} : memref<64xf32, #tpu.memory_space<vmem>>, vector<16xf32>,
      tpu.vector_store %arg13[%swap3A_69], %broadcast_in_dim3A_33 {strides = array<i32>} : memref<64xf32, #tpu.memory_space<vmem>>, vector<16xf32>,
      %swap3A_71 = arith.constant 16 : index
      %swap3A_72 = tpu.vector_load %arg13[%swap3A_71] {strides = array<i32>} : memref<64xf32, #tpu.memory_space<vmem>>, vector<16xf32>,
      tpu.vector_store %arg13[%swap3A_71], %broadcast_in_dim3A_33 {strides = array<i32>} : memref<64xf32, #tpu.memory_space<vmem>>, vector<16xf32>,
      %swap3A_73 = arith.constant 32 : index
      %swap3A_74 = tpu.vector_load %arg13[%swap3A_73] {strides = array<i32>} : memref<64xf32, #tpu.memory_space<vmem>>, vector<16xf32>,
      tpu.vector_store %arg13[%swap3A_73], %broadcast_in_dim3A_33 {strides = array<i32>} : memref<64xf32, #tpu.memory_space<vmem>>, vector<16xf32>,
      %swap3A_75 = arith.constant 48 : index
      %swap3A_76 = tpu.vector_load %arg13[%swap3A_75] {strides = array<i32>} : memref<64xf32, #tpu.memory_space<vmem>>, vector<16xf32>,
      tpu.vector_store %arg13[%swap3A_75], %broadcast_in_dim3A_33 {strides = array<i32>} : memref<64xf32, #tpu.memory_space<vmem>>, vector<16xf32>,
      %broadcast_in_dim3A_77 = vector.broadcast %add3A_68 : i32 to vector<16xi32>
      %scan3A_78 = arith.constant 0 : i32
      %scan3A_79 = arith.constant 0 : i32
      %scan3A_80 = arith.constant 64 : i32
      %scan3A_81 = arith.addi %scan3A_79, %scan3A_80 : i32
      %scan3A_82 = arith.constant 1 : i32
      %scan3A_83 = scf.for %scan3A_949 = %scan3A_79 to %scan3A_81 step %scan3A_82 iter_args(%scan3A_950 = %scan3A_78) -> (i32)  : i32 {
        %broadcast_in_dim3A_951 = vector.broadcast %scan3A_949 : i32 to vector<16xi32>
        %gather3A = tpu.vector_load_idx %arg10[%broadcast_in_dim3A_77, %broadcast_in_dim3A_951] : memref<128x64xf32, #tpu.memory_space<vmem>>[vector<16xi32>, vector<16xi32>], vector<16xf32>,
        %mul3A_952 = arith.constant 32 : i32
        %mul3A_953 = arith.muli %mul3A_952, %scan3A_949 : i32
        %add3A_954 = arith.constant 0 : i32
        %add3A_955 = arith.addi %mul3A_953, %add3A_954 : i32
        %get3A_956 = arith.index_cast %add3A_955 : i32 to index
        %get3A_957 = tpu.vector_load %arg8[%get3A_956] {strides = array<i32>} : memref<2048xi32, #tpu.memory_space<vmem>>, vector<16xi32>,
        %get3A_958 = arith.constant 0 : i32
        %get3A_959 = arith.index_cast %get3A_958 : i32 to index
        %get3A_960 = arith.index_cast %add3A_955 : i32 to index
        %get3A_961 = tpu.vector_load %arg12[%get3A_959, %get3A_960] {strides = array<i32>} : memref<8x2048xf32, #tpu.memory_space<vmem>>, vector<16xf32>,
        %mul3A_962 = arith.mulf %get3A_961, %gather3A : vector<16xf32>
        tpu.vector_store_idx %arg13[%get3A_957], %mul3A_962 {add = true} : memref<64xf32, #tpu.memory_space<vmem>>[vector<16xi32>], vector<16xf32>,
        %mul3A_963 = arith.constant 32 : i32
        %mul3A_964 = arith.muli %mul3A_963, %scan3A_949 : i32
        %add3A_965 = arith.constant 16 : i32
        %add3A_966 = arith.addi %mul3A_964, %add3A_965 : i32
        %get3A_967 = arith.index_cast %add3A_966 : i32 to index
        %get3A_968 = tpu.vector_load %arg8[%get3A_967] {strides = array<i32>} : memref<2048xi32, #tpu.memory_space<vmem>>, vector<16xi32>,
        %get3A_969 = arith.constant 0 : i32
        %get3A_970 = arith.index_cast %get3A_969 : i32 to index
        %get3A_971 = arith.index_cast %add3A_966 : i32 to index
        %get3A_972 = tpu.vector_load %arg12[%get3A_970, %get3A_971] {strides = array<i32>} : memref<8x2048xf32, #tpu.memory_space<vmem>>, vector<16xf32>,
        %mul3A_973 = arith.mulf %get3A_972, %gather3A : vector<16xf32>
        tpu.vector_store_idx %arg13[%get3A_968], %mul3A_973 {add = true} : memref<64xf32, #tpu.memory_space<vmem>>[vector<16xi32>], vector<16xf32>,
        %scan3A_974 = arith.constant 0 : i32
        scf.yield %scan3A_974 : i32
      }
      %scan3A_84 = arith.constant 64 : i32
      %get3A_85 = arith.constant 0 : index
      %get3A_86 = tpu.vector_load %arg13[%get3A_85] {strides = array<i32>} : memref<64xf32, #tpu.memory_space<vmem>>, vector<16xf32>,
      %get3A_87 = arith.constant 16 : index
      %get3A_88 = tpu.vector_load %arg13[%get3A_87] {strides = array<i32>} : memref<64xf32, #tpu.memory_space<vmem>>, vector<16xf32>,
      %get3A_89 = arith.constant 32 : index
      %get3A_90 = tpu.vector_load %arg13[%get3A_89] {strides = array<i32>} : memref<64xf32, #tpu.memory_space<vmem>>, vector<16xf32>,
      %get3A_91 = arith.constant 48 : index
      %get3A_92 = tpu.vector_load %arg13[%get3A_91] {strides = array<i32>} : memref<64xf32, #tpu.memory_space<vmem>>, vector<16xf32>,
      %mul3A_93 = arith.mulf %get3A_86, %div3A_8 : vector<16xf32>
      %mul3A_94 = arith.mulf %get3A_88, %div3A_16 : vector<16xf32>
      %mul3A_95 = arith.mulf %get3A_90, %div3A_24 : vector<16xf32>
      %mul3A_96 = arith.mulf %get3A_92, %div3A_32 : vector<16xf32>
      %get3A_97 = arith.index_cast %add3A_68 : i32 to index
      %get3A_98 = arith.constant 0 : index
      %get3A_99 = tpu.vector_load %arg11[%get3A_97, %get3A_98] {strides = array<i32>} : memref<128x64xf32, #tpu.memory_space<vmem>>, vector<16xf32>,
      %get3A_100 = arith.index_cast %add3A_68 : i32 to index
      %get3A_101 = arith.constant 16 : index
      %get3A_102 = tpu.vector_load %arg11[%get3A_100, %get3A_101] {strides = array<i32>} : memref<128x64xf32, #tpu.memory_space<vmem>>, vector<16xf32>,
      %get3A_103 = arith.index_cast %add3A_68 : i32 to index
      %get3A_104 = arith.constant 32 : index
      %get3A_105 = tpu.vector_load %arg11[%get3A_103, %get3A_104] {strides = array<i32>} : memref<128x64xf32, #tpu.memory_space<vmem>>, vector<16xf32>,
      %get3A_106 = arith.index_cast %add3A_68 : i32 to index
      %get3A_107 = arith.constant 48 : index
      %get3A_108 = tpu.vector_load %arg11[%get3A_106, %get3A_107] {strides = array<i32>} : memref<128x64xf32, #tpu.memory_space<vmem>>, vector<16xf32>,
      %add3A_109 = arith.addf %mul3A_93, %mul3A_94 : vector<16xf32>
      %add3A_110 = arith.addf %mul3A_95, %mul3A_96 : vector<16xf32>
      %add3A_111 = arith.addf %add3A_109, %add3A_110 : vector<16xf32>
      %mul3A_112 = arith.mulf %mul3A_93, %mul3A_93 : vector<16xf32>
      %mul3A_113 = arith.mulf %mul3A_94, %mul3A_94 : vector<16xf32>
      %add3A_114 = arith.addf %mul3A_112, %mul3A_113 : vector<16xf32>
      %mul3A_115 = arith.mulf %mul3A_95, %mul3A_95 : vector<16xf32>
      %mul3A_116 = arith.mulf %mul3A_96, %mul3A_96 : vector<16xf32>
      %add3A_117 = arith.addf %mul3A_115, %mul3A_116 : vector<16xf32>
      %add3A_118 = arith.addf %add3A_114, %add3A_117 : vector<16xf32>
      %max3A = arith.maximumf %mul3A_93, %mul3A_94 : vector<16xf32>
      %max3A_119 = arith.maximumf %mul3A_95, %mul3A_96 : vector<16xf32>
      %max3A_120 = arith.maximumf %max3A, %max3A_119 : vector<16xf32>
      %add3A_121 = arith.addf %get3A_86, %get3A_88 : vector<16xf32>
      %add3A_122 = arith.addf %get3A_90, %get3A_92 : vector<16xf32>
      %add3A_123 = arith.addf %add3A_121, %add3A_122 : vector<16xf32>
      %add3A_124 = arith.addf %get3A_99, %get3A_102 : vector<16xf32>
      %add3A_125 = arith.addf %get3A_105, %get3A_108 : vector<16xf32>
      %add3A_126 = arith.addf %add3A_124, %add3A_125 : vector<16xf32>
      %mul3A_127 = arith.mulf %get3A_86, %get3A_99 : vector<16xf32>
      %mul3A_128 = arith.mulf %get3A_88, %get3A_102 : vector<16xf32>
      %add3A_129 = arith.addf %mul3A_127, %mul3A_128 : vector<16xf32>
      %mul3A_130 = arith.mulf %get3A_90, %get3A_105 : vector<16xf32>
      %mul3A_131 = arith.mulf %get3A_92, %get3A_108 : vector<16xf32>
      %add3A_132 = arith.addf %mul3A_130, %mul3A_131 : vector<16xf32>
      %add3A_133 = arith.addf %add3A_129, %add3A_132 : vector<16xf32>
      %reduce_sum3A = arith.constant true
      %reduce_sum3A_134 = vector.broadcast %reduce_sum3A : i1 to vector<16xi1>
      %reduce_sum3A_135 = tpu.scan <sum>, %add3A_111 masked %reduce_sum3A_134 : vector<16xf32>, vector<16xi1> -> vector<16xf32>
      %reduce_sum3A_136 = vector.extract %reduce_sum3A_135[15] : f32 from vector<16xf32>
      %reduce_sum3A_137 = arith.constant true
      %reduce_sum3A_138 = vector.broadcast %reduce_sum3A_137 : i1 to vector<16xi1>
      %reduce_sum3A_139 = tpu.scan <sum>, %add3A_118 masked %reduce_sum3A_138 : vector<16xf32>, vector<16xi1> -> vector<16xf32>
      %reduce_sum3A_140 = vector.extract %reduce_sum3A_139[15] : f32 from vector<16xf32>
      %reduce_max3A = arith.constant true
      %reduce_max3A_141 = vector.broadcast %reduce_max3A : i1 to vector<16xi1>
      %reduce_max3A_142 = tpu.scan <max>, %max3A_120 masked %reduce_max3A_141 : vector<16xf32>, vector<16xi1> -> vector<16xf32>
      %reduce_max3A_143 = vector.extract %reduce_max3A_142[15] : f32 from vector<16xf32>
      %reduce_sum3A_144 = arith.constant true
      %reduce_sum3A_145 = vector.broadcast %reduce_sum3A_144 : i1 to vector<16xi1>
      %reduce_sum3A_146 = tpu.scan <sum>, %add3A_123 masked %reduce_sum3A_145 : vector<16xf32>, vector<16xi1> -> vector<16xf32>
      %reduce_sum3A_147 = vector.extract %reduce_sum3A_146[15] : f32 from vector<16xf32>
      %reduce_sum3A_148 = arith.constant true
      %reduce_sum3A_149 = vector.broadcast %reduce_sum3A_148 : i1 to vector<16xi1>
      %reduce_sum3A_150 = tpu.scan <sum>, %add3A_126 masked %reduce_sum3A_149 : vector<16xf32>, vector<16xi1> -> vector<16xf32>
      %reduce_sum3A_151 = vector.extract %reduce_sum3A_150[15] : f32 from vector<16xf32>
      %reduce_sum3A_152 = arith.constant true
      %reduce_sum3A_153 = vector.broadcast %reduce_sum3A_152 : i1 to vector<16xi1>
      %reduce_sum3A_154 = tpu.scan <sum>, %add3A_133 masked %reduce_sum3A_153 : vector<16xf32>, vector<16xi1> -> vector<16xf32>
      %reduce_sum3A_155 = vector.extract %reduce_sum3A_154[15] : f32 from vector<16xf32>
      %mul3A_156 = arith.mulf %reduce_sum3A_136, %reduce_sum3A_136 : f32
      %mul3A_157 = arith.constant 1.562500e-02 : f32
      %mul3A_158 = arith.mulf %mul3A_156, %mul3A_157 : f32
      %sub3A = arith.subf %reduce_sum3A_140, %mul3A_158 : f32
      %mul3A_159 = arith.constant 0.0158730168 : f32
      %mul3A_160 = arith.mulf %sub3A, %mul3A_159 : f32
      %add3A_161 = arith.addf %scan3A_59, %mul3A_160 : f32
      %add3A_162 = arith.addf %scan3A_60, %reduce_max3A_143 : f32
      %add3A_163 = arith.constant 9.99999993E-9 : f32
      %add3A_164 = arith.addf %reduce_sum3A_147, %add3A_163 : f32
      %add3A_165 = arith.constant 9.99999993E-9 : f32
      %add3A_166 = arith.addf %reduce_sum3A_151, %add3A_165 : f32
      %mul3A_167 = arith.mulf %add3A_164, %add3A_166 : f32
      %broadcast_in_dim3A_168 = vector.broadcast %reduce_sum3A_155 : f32 to vector<16xf32>
      %broadcast_in_dim3A_169 = vector.broadcast %mul3A_167 : f32 to vector<16xf32>
      %div3A_170 = arith.divf %broadcast_in_dim3A_168, %broadcast_in_dim3A_169 : vector<16xf32>
      %add3A_171 = arith.addf %scan3A_61, %div3A_170 : vector<16xf32>
      %mul3A_172 = arith.constant 8 : i32
      %mul3A_173 = arith.muli %scan3A_58, %mul3A_172 : i32
      %add3A_174 = arith.constant 1 : i32
      %add3A_175 = arith.addi %mul3A_173, %add3A_174 : i32
      %swap3A_176 = arith.constant 0 : index
      %swap3A_177 = tpu.vector_load %arg13[%swap3A_176] {strides = array<i32>} : memref<64xf32, #tpu.memory_space<vmem>>, vector<16xf32>,
      tpu.vector_store %arg13[%swap3A_176], %broadcast_in_dim3A_33 {strides = array<i32>} : memref<64xf32, #tpu.memory_space<vmem>>, vector<16xf32>,
      %swap3A_178 = arith.constant 16 : index
      %swap3A_179 = tpu.vector_load %arg13[%swap3A_178] {strides = array<i32>} : memref<64xf32, #tpu.memory_space<vmem>>, vector<16xf32>,
      tpu.vector_store %arg13[%swap3A_178], %broadcast_in_dim3A_33 {strides = array<i32>} : memref<64xf32, #tpu.memory_space<vmem>>, vector<16xf32>,
      %swap3A_180 = arith.constant 32 : index
      %swap3A_181 = tpu.vector_load %arg13[%swap3A_180] {strides = array<i32>} : memref<64xf32, #tpu.memory_space<vmem>>, vector<16xf32>,
      tpu.vector_store %arg13[%swap3A_180], %broadcast_in_dim3A_33 {strides = array<i32>} : memref<64xf32, #tpu.memory_space<vmem>>, vector<16xf32>,
      %swap3A_182 = arith.constant 48 : index
      %swap3A_183 = tpu.vector_load %arg13[%swap3A_182] {strides = array<i32>} : memref<64xf32, #tpu.memory_space<vmem>>, vector<16xf32>,
      tpu.vector_store %arg13[%swap3A_182], %broadcast_in_dim3A_33 {strides = array<i32>} : memref<64xf32, #tpu.memory_space<vmem>>, vector<16xf32>,
      %broadcast_in_dim3A_184 = vector.broadcast %add3A_175 : i32 to vector<16xi32>
      %scan3A_185 = arith.constant 0 : i32
      %scan3A_186 = arith.constant 0 : i32
      %scan3A_187 = arith.constant 64 : i32
      %scan3A_188 = arith.addi %scan3A_186, %scan3A_187 : i32
      %scan3A_189 = arith.constant 1 : i32
      %scan3A_190 = scf.for %scan3A_949 = %scan3A_186 to %scan3A_188 step %scan3A_189 iter_args(%scan3A_950 = %scan3A_185) -> (i32)  : i32 {
        %broadcast_in_dim3A_951 = vector.broadcast %scan3A_949 : i32 to vector<16xi32>
        %gather3A = tpu.vector_load_idx %arg10[%broadcast_in_dim3A_184, %broadcast_in_dim3A_951] : memref<128x64xf32, #tpu.memory_space<vmem>>[vector<16xi32>, vector<16xi32>], vector<16xf32>,
        %mul3A_952 = arith.constant 32 : i32
        %mul3A_953 = arith.muli %mul3A_952, %scan3A_949 : i32
        %add3A_954 = arith.constant 0 : i32
        %add3A_955 = arith.addi %mul3A_953, %add3A_954 : i32
        %get3A_956 = arith.index_cast %add3A_955 : i32 to index
        %get3A_957 = tpu.vector_load %arg8[%get3A_956] {strides = array<i32>} : memref<2048xi32, #tpu.memory_space<vmem>>, vector<16xi32>,
        %get3A_958 = arith.constant 1 : i32
        %get3A_959 = arith.index_cast %get3A_958 : i32 to index
        %get3A_960 = arith.index_cast %add3A_955 : i32 to index
        %get3A_961 = tpu.vector_load %arg12[%get3A_959, %get3A_960] {strides = array<i32>} : memref<8x2048xf32, #tpu.memory_space<vmem>>, vector<16xf32>,
        %mul3A_962 = arith.mulf %get3A_961, %gather3A : vector<16xf32>
        tpu.vector_store_idx %arg13[%get3A_957], %mul3A_962 {add = true} : memref<64xf32, #tpu.memory_space<vmem>>[vector<16xi32>], vector<16xf32>,
        %mul3A_963 = arith.constant 32 : i32
        %mul3A_964 = arith.muli %mul3A_963, %scan3A_949 : i32
        %add3A_965 = arith.constant 16 : i32
        %add3A_966 = arith.addi %mul3A_964, %add3A_965 : i32
        %get3A_967 = arith.index_cast %add3A_966 : i32 to index
        %get3A_968 = tpu.vector_load %arg8[%get3A_967] {strides = array<i32>} : memref<2048xi32, #tpu.memory_space<vmem>>, vector<16xi32>,
        %get3A_969 = arith.constant 1 : i32
        %get3A_970 = arith.index_cast %get3A_969 : i32 to index
        %get3A_971 = arith.index_cast %add3A_966 : i32 to index
        %get3A_972 = tpu.vector_load %arg12[%get3A_970, %get3A_971] {strides = array<i32>} : memref<8x2048xf32, #tpu.memory_space<vmem>>, vector<16xf32>,
        %mul3A_973 = arith.mulf %get3A_972, %gather3A : vector<16xf32>
        tpu.vector_store_idx %arg13[%get3A_968], %mul3A_973 {add = true} : memref<64xf32, #tpu.memory_space<vmem>>[vector<16xi32>], vector<16xf32>,
        %scan3A_974 = arith.constant 0 : i32
        scf.yield %scan3A_974 : i32
      }
      %scan3A_191 = arith.constant 64 : i32
      %get3A_192 = arith.constant 0 : index
      %get3A_193 = tpu.vector_load %arg13[%get3A_192] {strides = array<i32>} : memref<64xf32, #tpu.memory_space<vmem>>, vector<16xf32>,
      %get3A_194 = arith.constant 16 : index
      %get3A_195 = tpu.vector_load %arg13[%get3A_194] {strides = array<i32>} : memref<64xf32, #tpu.memory_space<vmem>>, vector<16xf32>,
      %get3A_196 = arith.constant 32 : index
      %get3A_197 = tpu.vector_load %arg13[%get3A_196] {strides = array<i32>} : memref<64xf32, #tpu.memory_space<vmem>>, vector<16xf32>,
      %get3A_198 = arith.constant 48 : index
      %get3A_199 = tpu.vector_load %arg13[%get3A_198] {strides = array<i32>} : memref<64xf32, #tpu.memory_space<vmem>>, vector<16xf32>,
      %mul3A_200 = arith.mulf %get3A_193, %div3A_8 : vector<16xf32>
      %mul3A_201 = arith.mulf %get3A_195, %div3A_16 : vector<16xf32>
      %mul3A_202 = arith.mulf %get3A_197, %div3A_24 : vector<16xf32>
      %mul3A_203 = arith.mulf %get3A_199, %div3A_32 : vector<16xf32>
      %get3A_204 = arith.index_cast %add3A_175 : i32 to index
      %get3A_205 = arith.constant 0 : index
      %get3A_206 = tpu.vector_load %arg11[%get3A_204, %get3A_205] {strides = array<i32>} : memref<128x64xf32, #tpu.memory_space<vmem>>, vector<16xf32>,
      %get3A_207 = arith.index_cast %add3A_175 : i32 to index
      %get3A_208 = arith.constant 16 : index
      %get3A_209 = tpu.vector_load %arg11[%get3A_207, %get3A_208] {strides = array<i32>} : memref<128x64xf32, #tpu.memory_space<vmem>>, vector<16xf32>,
      %get3A_210 = arith.index_cast %add3A_175 : i32 to index
      %get3A_211 = arith.constant 32 : index
      %get3A_212 = tpu.vector_load %arg11[%get3A_210, %get3A_211] {strides = array<i32>} : memref<128x64xf32, #tpu.memory_space<vmem>>, vector<16xf32>,
      %get3A_213 = arith.index_cast %add3A_175 : i32 to index
      %get3A_214 = arith.constant 48 : index
      %get3A_215 = tpu.vector_load %arg11[%get3A_213, %get3A_214] {strides = array<i32>} : memref<128x64xf32, #tpu.memory_space<vmem>>, vector<16xf32>,
      %add3A_216 = arith.addf %mul3A_200, %mul3A_201 : vector<16xf32>
      %add3A_217 = arith.addf %mul3A_202, %mul3A_203 : vector<16xf32>
      %add3A_218 = arith.addf %add3A_216, %add3A_217 : vector<16xf32>
      %mul3A_219 = arith.mulf %mul3A_200, %mul3A_200 : vector<16xf32>
      %mul3A_220 = arith.mulf %mul3A_201, %mul3A_201 : vector<16xf32>
      %add3A_221 = arith.addf %mul3A_219, %mul3A_220 : vector<16xf32>
      %mul3A_222 = arith.mulf %mul3A_202, %mul3A_202 : vector<16xf32>
      %mul3A_223 = arith.mulf %mul3A_203, %mul3A_203 : vector<16xf32>
      %add3A_224 = arith.addf %mul3A_222, %mul3A_223 : vector<16xf32>
      %add3A_225 = arith.addf %add3A_221, %add3A_224 : vector<16xf32>
      %max3A_226 = arith.maximumf %mul3A_200, %mul3A_201 : vector<16xf32>
      %max3A_227 = arith.maximumf %mul3A_202, %mul3A_203 : vector<16xf32>
      %max3A_228 = arith.maximumf %max3A_226, %max3A_227 : vector<16xf32>
      %add3A_229 = arith.addf %get3A_193, %get3A_195 : vector<16xf32>
      %add3A_230 = arith.addf %get3A_197, %get3A_199 : vector<16xf32>
      %add3A_231 = arith.addf %add3A_229, %add3A_230 : vector<16xf32>
      %add3A_232 = arith.addf %get3A_206, %get3A_209 : vector<16xf32>
      %add3A_233 = arith.addf %get3A_212, %get3A_215 : vector<16xf32>
      %add3A_234 = arith.addf %add3A_232, %add3A_233 : vector<16xf32>
      %mul3A_235 = arith.mulf %get3A_193, %get3A_206 : vector<16xf32>
      %mul3A_236 = arith.mulf %get3A_195, %get3A_209 : vector<16xf32>
      %add3A_237 = arith.addf %mul3A_235, %mul3A_236 : vector<16xf32>
      %mul3A_238 = arith.mulf %get3A_197, %get3A_212 : vector<16xf32>
      %mul3A_239 = arith.mulf %get3A_199, %get3A_215 : vector<16xf32>
      %add3A_240 = arith.addf %mul3A_238, %mul3A_239 : vector<16xf32>
      %add3A_241 = arith.addf %add3A_237, %add3A_240 : vector<16xf32>
      %reduce_sum3A_242 = arith.constant true
      %reduce_sum3A_243 = vector.broadcast %reduce_sum3A_242 : i1 to vector<16xi1>
      %reduce_sum3A_244 = tpu.scan <sum>, %add3A_218 masked %reduce_sum3A_243 : vector<16xf32>, vector<16xi1> -> vector<16xf32>
      %reduce_sum3A_245 = vector.extract %reduce_sum3A_244[15] : f32 from vector<16xf32>
      %reduce_sum3A_246 = arith.constant true
      %reduce_sum3A_247 = vector.broadcast %reduce_sum3A_246 : i1 to vector<16xi1>
      %reduce_sum3A_248 = tpu.scan <sum>, %add3A_225 masked %reduce_sum3A_247 : vector<16xf32>, vector<16xi1> -> vector<16xf32>
      %reduce_sum3A_249 = vector.extract %reduce_sum3A_248[15] : f32 from vector<16xf32>
      %reduce_max3A_250 = arith.constant true
      %reduce_max3A_251 = vector.broadcast %reduce_max3A_250 : i1 to vector<16xi1>
      %reduce_max3A_252 = tpu.scan <max>, %max3A_228 masked %reduce_max3A_251 : vector<16xf32>, vector<16xi1> -> vector<16xf32>
      %reduce_max3A_253 = vector.extract %reduce_max3A_252[15] : f32 from vector<16xf32>
      %reduce_sum3A_254 = arith.constant true
      %reduce_sum3A_255 = vector.broadcast %reduce_sum3A_254 : i1 to vector<16xi1>
      %reduce_sum3A_256 = tpu.scan <sum>, %add3A_231 masked %reduce_sum3A_255 : vector<16xf32>, vector<16xi1> -> vector<16xf32>
      %reduce_sum3A_257 = vector.extract %reduce_sum3A_256[15] : f32 from vector<16xf32>
      %reduce_sum3A_258 = arith.constant true
      %reduce_sum3A_259 = vector.broadcast %reduce_sum3A_258 : i1 to vector<16xi1>
      %reduce_sum3A_260 = tpu.scan <sum>, %add3A_234 masked %reduce_sum3A_259 : vector<16xf32>, vector<16xi1> -> vector<16xf32>
      %reduce_sum3A_261 = vector.extract %reduce_sum3A_260[15] : f32 from vector<16xf32>
      %reduce_sum3A_262 = arith.constant true
      %reduce_sum3A_263 = vector.broadcast %reduce_sum3A_262 : i1 to vector<16xi1>
      %reduce_sum3A_264 = tpu.scan <sum>, %add3A_241 masked %reduce_sum3A_263 : vector<16xf32>, vector<16xi1> -> vector<16xf32>
      %reduce_sum3A_265 = vector.extract %reduce_sum3A_264[15] : f32 from vector<16xf32>
      %mul3A_266 = arith.mulf %reduce_sum3A_245, %reduce_sum3A_245 : f32
      %mul3A_267 = arith.constant 1.562500e-02 : f32
      %mul3A_268 = arith.mulf %mul3A_266, %mul3A_267 : f32
      %sub3A_269 = arith.subf %reduce_sum3A_249, %mul3A_268 : f32
      %mul3A_270 = arith.constant 0.0158730168 : f32
      %mul3A_271 = arith.mulf %sub3A_269, %mul3A_270 : f32
      %add3A_272 = arith.addf %add3A_161, %mul3A_271 : f32
      %add3A_273 = arith.addf %add3A_162, %reduce_max3A_253 : f32
      %add3A_274 = arith.constant 9.99999993E-9 : f32
      %add3A_275 = arith.addf %reduce_sum3A_257, %add3A_274 : f32
      %add3A_276 = arith.constant 9.99999993E-9 : f32
      %add3A_277 = arith.addf %reduce_sum3A_261, %add3A_276 : f32
      %mul3A_278 = arith.mulf %add3A_275, %add3A_277 : f32
      %broadcast_in_dim3A_279 = vector.broadcast %reduce_sum3A_265 : f32 to vector<16xf32>
      %broadcast_in_dim3A_280 = vector.broadcast %mul3A_278 : f32 to vector<16xf32>
      %div3A_281 = arith.divf %broadcast_in_dim3A_279, %broadcast_in_dim3A_280 : vector<16xf32>
      %add3A_282 = arith.addf %add3A_171, %div3A_281 : vector<16xf32>
      %mul3A_283 = arith.constant 8 : i32
      %mul3A_284 = arith.muli %scan3A_58, %mul3A_283 : i32
      %add3A_285 = arith.constant 2 : i32
      %add3A_286 = arith.addi %mul3A_284, %add3A_285 : i32
      %swap3A_287 = arith.constant 0 : index
      %swap3A_288 = tpu.vector_load %arg13[%swap3A_287] {strides = array<i32>} : memref<64xf32, #tpu.memory_space<vmem>>, vector<16xf32>,
      tpu.vector_store %arg13[%swap3A_287], %broadcast_in_dim3A_33 {strides = array<i32>} : memref<64xf32, #tpu.memory_space<vmem>>, vector<16xf32>,
      %swap3A_289 = arith.constant 16 : index
      %swap3A_290 = tpu.vector_load %arg13[%swap3A_289] {strides = array<i32>} : memref<64xf32, #tpu.memory_space<vmem>>, vector<16xf32>,
      tpu.vector_store %arg13[%swap3A_289], %broadcast_in_dim3A_33 {strides = array<i32>} : memref<64xf32, #tpu.memory_space<vmem>>, vector<16xf32>,
      %swap3A_291 = arith.constant 32 : index
      %swap3A_292 = tpu.vector_load %arg13[%swap3A_291] {strides = array<i32>} : memref<64xf32, #tpu.memory_space<vmem>>, vector<16xf32>,
      tpu.vector_store %arg13[%swap3A_291], %broadcast_in_dim3A_33 {strides = array<i32>} : memref<64xf32, #tpu.memory_space<vmem>>, vector<16xf32>,
      %swap3A_293 = arith.constant 48 : index
      %swap3A_294 = tpu.vector_load %arg13[%swap3A_293] {strides = array<i32>} : memref<64xf32, #tpu.memory_space<vmem>>, vector<16xf32>,
      tpu.vector_store %arg13[%swap3A_293], %broadcast_in_dim3A_33 {strides = array<i32>} : memref<64xf32, #tpu.memory_space<vmem>>, vector<16xf32>,
      %broadcast_in_dim3A_295 = vector.broadcast %add3A_286 : i32 to vector<16xi32>
      %scan3A_296 = arith.constant 0 : i32
      %scan3A_297 = arith.constant 0 : i32
      %scan3A_298 = arith.constant 64 : i32
      %scan3A_299 = arith.addi %scan3A_297, %scan3A_298 : i32
      %scan3A_300 = arith.constant 1 : i32
      %scan3A_301 = scf.for %scan3A_949 = %scan3A_297 to %scan3A_299 step %scan3A_300 iter_args(%scan3A_950 = %scan3A_296) -> (i32)  : i32 {
        %broadcast_in_dim3A_951 = vector.broadcast %scan3A_949 : i32 to vector<16xi32>
        %gather3A = tpu.vector_load_idx %arg10[%broadcast_in_dim3A_295, %broadcast_in_dim3A_951] : memref<128x64xf32, #tpu.memory_space<vmem>>[vector<16xi32>, vector<16xi32>], vector<16xf32>,
        %mul3A_952 = arith.constant 32 : i32
        %mul3A_953 = arith.muli %mul3A_952, %scan3A_949 : i32
        %add3A_954 = arith.constant 0 : i32
        %add3A_955 = arith.addi %mul3A_953, %add3A_954 : i32
        %get3A_956 = arith.index_cast %add3A_955 : i32 to index
        %get3A_957 = tpu.vector_load %arg8[%get3A_956] {strides = array<i32>} : memref<2048xi32, #tpu.memory_space<vmem>>, vector<16xi32>,
        %get3A_958 = arith.constant 2 : i32
        %get3A_959 = arith.index_cast %get3A_958 : i32 to index
        %get3A_960 = arith.index_cast %add3A_955 : i32 to index
        %get3A_961 = tpu.vector_load %arg12[%get3A_959, %get3A_960] {strides = array<i32>} : memref<8x2048xf32, #tpu.memory_space<vmem>>, vector<16xf32>,
        %mul3A_962 = arith.mulf %get3A_961, %gather3A : vector<16xf32>
        tpu.vector_store_idx %arg13[%get3A_957], %mul3A_962 {add = true} : memref<64xf32, #tpu.memory_space<vmem>>[vector<16xi32>], vector<16xf32>,
        %mul3A_963 = arith.constant 32 : i32
        %mul3A_964 = arith.muli %mul3A_963, %scan3A_949 : i32
        %add3A_965 = arith.constant 16 : i32
        %add3A_966 = arith.addi %mul3A_964, %add3A_965 : i32
        %get3A_967 = arith.index_cast %add3A_966 : i32 to index
        %get3A_968 = tpu.vector_load %arg8[%get3A_967] {strides = array<i32>} : memref<2048xi32, #tpu.memory_space<vmem>>, vector<16xi32>,
        %get3A_969 = arith.constant 2 : i32
        %get3A_970 = arith.index_cast %get3A_969 : i32 to index
        %get3A_971 = arith.index_cast %add3A_966 : i32 to index
        %get3A_972 = tpu.vector_load %arg12[%get3A_970, %get3A_971] {strides = array<i32>} : memref<8x2048xf32, #tpu.memory_space<vmem>>, vector<16xf32>,
        %mul3A_973 = arith.mulf %get3A_972, %gather3A : vector<16xf32>
        tpu.vector_store_idx %arg13[%get3A_968], %mul3A_973 {add = true} : memref<64xf32, #tpu.memory_space<vmem>>[vector<16xi32>], vector<16xf32>,
        %scan3A_974 = arith.constant 0 : i32
        scf.yield %scan3A_974 : i32
      }
      %scan3A_302 = arith.constant 64 : i32
      %get3A_303 = arith.constant 0 : index
      %get3A_304 = tpu.vector_load %arg13[%get3A_303] {strides = array<i32>} : memref<64xf32, #tpu.memory_space<vmem>>, vector<16xf32>,
      %get3A_305 = arith.constant 16 : index
      %get3A_306 = tpu.vector_load %arg13[%get3A_305] {strides = array<i32>} : memref<64xf32, #tpu.memory_space<vmem>>, vector<16xf32>,
      %get3A_307 = arith.constant 32 : index
      %get3A_308 = tpu.vector_load %arg13[%get3A_307] {strides = array<i32>} : memref<64xf32, #tpu.memory_space<vmem>>, vector<16xf32>,
      %get3A_309 = arith.constant 48 : index
      %get3A_310 = tpu.vector_load %arg13[%get3A_309] {strides = array<i32>} : memref<64xf32, #tpu.memory_space<vmem>>, vector<16xf32>,
      %mul3A_311 = arith.mulf %get3A_304, %div3A_8 : vector<16xf32>
      %mul3A_312 = arith.mulf %get3A_306, %div3A_16 : vector<16xf32>
      %mul3A_313 = arith.mulf %get3A_308, %div3A_24 : vector<16xf32>
      %mul3A_314 = arith.mulf %get3A_310, %div3A_32 : vector<16xf32>
      %get3A_315 = arith.index_cast %add3A_286 : i32 to index
      %get3A_316 = arith.constant 0 : index
      %get3A_317 = tpu.vector_load %arg11[%get3A_315, %get3A_316] {strides = array<i32>} : memref<128x64xf32, #tpu.memory_space<vmem>>, vector<16xf32>,
      %get3A_318 = arith.index_cast %add3A_286 : i32 to index
      %get3A_319 = arith.constant 16 : index
      %get3A_320 = tpu.vector_load %arg11[%get3A_318, %get3A_319] {strides = array<i32>} : memref<128x64xf32, #tpu.memory_space<vmem>>, vector<16xf32>,
      %get3A_321 = arith.index_cast %add3A_286 : i32 to index
      %get3A_322 = arith.constant 32 : index
      %get3A_323 = tpu.vector_load %arg11[%get3A_321, %get3A_322] {strides = array<i32>} : memref<128x64xf32, #tpu.memory_space<vmem>>, vector<16xf32>,
      %get3A_324 = arith.index_cast %add3A_286 : i32 to index
      %get3A_325 = arith.constant 48 : index
      %get3A_326 = tpu.vector_load %arg11[%get3A_324, %get3A_325] {strides = array<i32>} : memref<128x64xf32, #tpu.memory_space<vmem>>, vector<16xf32>,
      %add3A_327 = arith.addf %mul3A_311, %mul3A_312 : vector<16xf32>
      %add3A_328 = arith.addf %mul3A_313, %mul3A_314 : vector<16xf32>
      %add3A_329 = arith.addf %add3A_327, %add3A_328 : vector<16xf32>
      %mul3A_330 = arith.mulf %mul3A_311, %mul3A_311 : vector<16xf32>
      %mul3A_331 = arith.mulf %mul3A_312, %mul3A_312 : vector<16xf32>
      %add3A_332 = arith.addf %mul3A_330, %mul3A_331 : vector<16xf32>
      %mul3A_333 = arith.mulf %mul3A_313, %mul3A_313 : vector<16xf32>
      %mul3A_334 = arith.mulf %mul3A_314, %mul3A_314 : vector<16xf32>
      %add3A_335 = arith.addf %mul3A_333, %mul3A_334 : vector<16xf32>
      %add3A_336 = arith.addf %add3A_332, %add3A_335 : vector<16xf32>
      %max3A_337 = arith.maximumf %mul3A_311, %mul3A_312 : vector<16xf32>
      %max3A_338 = arith.maximumf %mul3A_313, %mul3A_314 : vector<16xf32>
      %max3A_339 = arith.maximumf %max3A_337, %max3A_338 : vector<16xf32>
      %add3A_340 = arith.addf %get3A_304, %get3A_306 : vector<16xf32>
      %add3A_341 = arith.addf %get3A_308, %get3A_310 : vector<16xf32>
      %add3A_342 = arith.addf %add3A_340, %add3A_341 : vector<16xf32>
      %add3A_343 = arith.addf %get3A_317, %get3A_320 : vector<16xf32>
      %add3A_344 = arith.addf %get3A_323, %get3A_326 : vector<16xf32>
      %add3A_345 = arith.addf %add3A_343, %add3A_344 : vector<16xf32>
      %mul3A_346 = arith.mulf %get3A_304, %get3A_317 : vector<16xf32>
      %mul3A_347 = arith.mulf %get3A_306, %get3A_320 : vector<16xf32>
      %add3A_348 = arith.addf %mul3A_346, %mul3A_347 : vector<16xf32>
      %mul3A_349 = arith.mulf %get3A_308, %get3A_323 : vector<16xf32>
      %mul3A_350 = arith.mulf %get3A_310, %get3A_326 : vector<16xf32>
      %add3A_351 = arith.addf %mul3A_349, %mul3A_350 : vector<16xf32>
      %add3A_352 = arith.addf %add3A_348, %add3A_351 : vector<16xf32>
      %reduce_sum3A_353 = arith.constant true
      %reduce_sum3A_354 = vector.broadcast %reduce_sum3A_353 : i1 to vector<16xi1>
      %reduce_sum3A_355 = tpu.scan <sum>, %add3A_329 masked %reduce_sum3A_354 : vector<16xf32>, vector<16xi1> -> vector<16xf32>
      %reduce_sum3A_356 = vector.extract %reduce_sum3A_355[15] : f32 from vector<16xf32>
      %reduce_sum3A_357 = arith.constant true
      %reduce_sum3A_358 = vector.broadcast %reduce_sum3A_357 : i1 to vector<16xi1>
      %reduce_sum3A_359 = tpu.scan <sum>, %add3A_336 masked %reduce_sum3A_358 : vector<16xf32>, vector<16xi1> -> vector<16xf32>
      %reduce_sum3A_360 = vector.extract %reduce_sum3A_359[15] : f32 from vector<16xf32>
      %reduce_max3A_361 = arith.constant true
      %reduce_max3A_362 = vector.broadcast %reduce_max3A_361 : i1 to vector<16xi1>
      %reduce_max3A_363 = tpu.scan <max>, %max3A_339 masked %reduce_max3A_362 : vector<16xf32>, vector<16xi1> -> vector<16xf32>
      %reduce_max3A_364 = vector.extract %reduce_max3A_363[15] : f32 from vector<16xf32>
      %reduce_sum3A_365 = arith.constant true
      %reduce_sum3A_366 = vector.broadcast %reduce_sum3A_365 : i1 to vector<16xi1>
      %reduce_sum3A_367 = tpu.scan <sum>, %add3A_342 masked %reduce_sum3A_366 : vector<16xf32>, vector<16xi1> -> vector<16xf32>
      %reduce_sum3A_368 = vector.extract %reduce_sum3A_367[15] : f32 from vector<16xf32>
      %reduce_sum3A_369 = arith.constant true
      %reduce_sum3A_370 = vector.broadcast %reduce_sum3A_369 : i1 to vector<16xi1>
      %reduce_sum3A_371 = tpu.scan <sum>, %add3A_345 masked %reduce_sum3A_370 : vector<16xf32>, vector<16xi1> -> vector<16xf32>
      %reduce_sum3A_372 = vector.extract %reduce_sum3A_371[15] : f32 from vector<16xf32>
      %reduce_sum3A_373 = arith.constant true
      %reduce_sum3A_374 = vector.broadcast %reduce_sum3A_373 : i1 to vector<16xi1>
      %reduce_sum3A_375 = tpu.scan <sum>, %add3A_352 masked %reduce_sum3A_374 : vector<16xf32>, vector<16xi1> -> vector<16xf32>
      %reduce_sum3A_376 = vector.extract %reduce_sum3A_375[15] : f32 from vector<16xf32>
      %mul3A_377 = arith.mulf %reduce_sum3A_356, %reduce_sum3A_356 : f32
      %mul3A_378 = arith.constant 1.562500e-02 : f32
      %mul3A_379 = arith.mulf %mul3A_377, %mul3A_378 : f32
      %sub3A_380 = arith.subf %reduce_sum3A_360, %mul3A_379 : f32
      %mul3A_381 = arith.constant 0.0158730168 : f32
      %mul3A_382 = arith.mulf %sub3A_380, %mul3A_381 : f32
      %add3A_383 = arith.addf %add3A_272, %mul3A_382 : f32
      %add3A_384 = arith.addf %add3A_273, %reduce_max3A_364 : f32
      %add3A_385 = arith.constant 9.99999993E-9 : f32
      %add3A_386 = arith.addf %reduce_sum3A_368, %add3A_385 : f32
      %add3A_387 = arith.constant 9.99999993E-9 : f32
      %add3A_388 = arith.addf %reduce_sum3A_372, %add3A_387 : f32
      %mul3A_389 = arith.mulf %add3A_386, %add3A_388 : f32
      %broadcast_in_dim3A_390 = vector.broadcast %reduce_sum3A_376 : f32 to vector<16xf32>
      %broadcast_in_dim3A_391 = vector.broadcast %mul3A_389 : f32 to vector<16xf32>
      %div3A_392 = arith.divf %broadcast_in_dim3A_390, %broadcast_in_dim3A_391 : vector<16xf32>
      %add3A_393 = arith.addf %add3A_282, %div3A_392 : vector<16xf32>
      %mul3A_394 = arith.constant 8 : i32
      %mul3A_395 = arith.muli %scan3A_58, %mul3A_394 : i32
      %add3A_396 = arith.constant 3 : i32
      %add3A_397 = arith.addi %mul3A_395, %add3A_396 : i32
      %swap3A_398 = arith.constant 0 : index
      %swap3A_399 = tpu.vector_load %arg13[%swap3A_398] {strides = array<i32>} : memref<64xf32, #tpu.memory_space<vmem>>, vector<16xf32>,
      tpu.vector_store %arg13[%swap3A_398], %broadcast_in_dim3A_33 {strides = array<i32>} : memref<64xf32, #tpu.memory_space<vmem>>, vector<16xf32>,
      %swap3A_400 = arith.constant 16 : index
      %swap3A_401 = tpu.vector_load %arg13[%swap3A_400] {strides = array<i32>} : memref<64xf32, #tpu.memory_space<vmem>>, vector<16xf32>,
      tpu.vector_store %arg13[%swap3A_400], %broadcast_in_dim3A_33 {strides = array<i32>} : memref<64xf32, #tpu.memory_space<vmem>>, vector<16xf32>,
      %swap3A_402 = arith.constant 32 : index
      %swap3A_403 = tpu.vector_load %arg13[%swap3A_402] {strides = array<i32>} : memref<64xf32, #tpu.memory_space<vmem>>, vector<16xf32>,
      tpu.vector_store %arg13[%swap3A_402], %broadcast_in_dim3A_33 {strides = array<i32>} : memref<64xf32, #tpu.memory_space<vmem>>, vector<16xf32>,
      %swap3A_404 = arith.constant 48 : index
      %swap3A_405 = tpu.vector_load %arg13[%swap3A_404] {strides = array<i32>} : memref<64xf32, #tpu.memory_space<vmem>>, vector<16xf32>,
      tpu.vector_store %arg13[%swap3A_404], %broadcast_in_dim3A_33 {strides = array<i32>} : memref<64xf32, #tpu.memory_space<vmem>>, vector<16xf32>,
      %broadcast_in_dim3A_406 = vector.broadcast %add3A_397 : i32 to vector<16xi32>
      %scan3A_407 = arith.constant 0 : i32
      %scan3A_408 = arith.constant 0 : i32
      %scan3A_409 = arith.constant 64 : i32
      %scan3A_410 = arith.addi %scan3A_408, %scan3A_409 : i32
      %scan3A_411 = arith.constant 1 : i32
      %scan3A_412 = scf.for %scan3A_949 = %scan3A_408 to %scan3A_410 step %scan3A_411 iter_args(%scan3A_950 = %scan3A_407) -> (i32)  : i32 {
        %broadcast_in_dim3A_951 = vector.broadcast %scan3A_949 : i32 to vector<16xi32>
        %gather3A = tpu.vector_load_idx %arg10[%broadcast_in_dim3A_406, %broadcast_in_dim3A_951] : memref<128x64xf32, #tpu.memory_space<vmem>>[vector<16xi32>, vector<16xi32>], vector<16xf32>,
        %mul3A_952 = arith.constant 32 : i32
        %mul3A_953 = arith.muli %mul3A_952, %scan3A_949 : i32
        %add3A_954 = arith.constant 0 : i32
        %add3A_955 = arith.addi %mul3A_953, %add3A_954 : i32
        %get3A_956 = arith.index_cast %add3A_955 : i32 to index
        %get3A_957 = tpu.vector_load %arg8[%get3A_956] {strides = array<i32>} : memref<2048xi32, #tpu.memory_space<vmem>>, vector<16xi32>,
        %get3A_958 = arith.constant 3 : i32
        %get3A_959 = arith.index_cast %get3A_958 : i32 to index
        %get3A_960 = arith.index_cast %add3A_955 : i32 to index
        %get3A_961 = tpu.vector_load %arg12[%get3A_959, %get3A_960] {strides = array<i32>} : memref<8x2048xf32, #tpu.memory_space<vmem>>, vector<16xf32>,
        %mul3A_962 = arith.mulf %get3A_961, %gather3A : vector<16xf32>
        tpu.vector_store_idx %arg13[%get3A_957], %mul3A_962 {add = true} : memref<64xf32, #tpu.memory_space<vmem>>[vector<16xi32>], vector<16xf32>,
        %mul3A_963 = arith.constant 32 : i32
        %mul3A_964 = arith.muli %mul3A_963, %scan3A_949 : i32
        %add3A_965 = arith.constant 16 : i32
        %add3A_966 = arith.addi %mul3A_964, %add3A_965 : i32
        %get3A_967 = arith.index_cast %add3A_966 : i32 to index
        %get3A_968 = tpu.vector_load %arg8[%get3A_967] {strides = array<i32>} : memref<2048xi32, #tpu.memory_space<vmem>>, vector<16xi32>,
        %get3A_969 = arith.constant 3 : i32
        %get3A_970 = arith.index_cast %get3A_969 : i32 to index
        %get3A_971 = arith.index_cast %add3A_966 : i32 to index
        %get3A_972 = tpu.vector_load %arg12[%get3A_970, %get3A_971] {strides = array<i32>} : memref<8x2048xf32, #tpu.memory_space<vmem>>, vector<16xf32>,
        %mul3A_973 = arith.mulf %get3A_972, %gather3A : vector<16xf32>
        tpu.vector_store_idx %arg13[%get3A_968], %mul3A_973 {add = true} : memref<64xf32, #tpu.memory_space<vmem>>[vector<16xi32>], vector<16xf32>,
        %scan3A_974 = arith.constant 0 : i32
        scf.yield %scan3A_974 : i32
      }
      %scan3A_413 = arith.constant 64 : i32
      %get3A_414 = arith.constant 0 : index
      %get3A_415 = tpu.vector_load %arg13[%get3A_414] {strides = array<i32>} : memref<64xf32, #tpu.memory_space<vmem>>, vector<16xf32>,
      %get3A_416 = arith.constant 16 : index
      %get3A_417 = tpu.vector_load %arg13[%get3A_416] {strides = array<i32>} : memref<64xf32, #tpu.memory_space<vmem>>, vector<16xf32>,
      %get3A_418 = arith.constant 32 : index
      %get3A_419 = tpu.vector_load %arg13[%get3A_418] {strides = array<i32>} : memref<64xf32, #tpu.memory_space<vmem>>, vector<16xf32>,
      %get3A_420 = arith.constant 48 : index
      %get3A_421 = tpu.vector_load %arg13[%get3A_420] {strides = array<i32>} : memref<64xf32, #tpu.memory_space<vmem>>, vector<16xf32>,
      %mul3A_422 = arith.mulf %get3A_415, %div3A_8 : vector<16xf32>
      %mul3A_423 = arith.mulf %get3A_417, %div3A_16 : vector<16xf32>
      %mul3A_424 = arith.mulf %get3A_419, %div3A_24 : vector<16xf32>
      %mul3A_425 = arith.mulf %get3A_421, %div3A_32 : vector<16xf32>
      %get3A_426 = arith.index_cast %add3A_397 : i32 to index
      %get3A_427 = arith.constant 0 : index
      %get3A_428 = tpu.vector_load %arg11[%get3A_426, %get3A_427] {strides = array<i32>} : memref<128x64xf32, #tpu.memory_space<vmem>>, vector<16xf32>,
      %get3A_429 = arith.index_cast %add3A_397 : i32 to index
      %get3A_430 = arith.constant 16 : index
      %get3A_431 = tpu.vector_load %arg11[%get3A_429, %get3A_430] {strides = array<i32>} : memref<128x64xf32, #tpu.memory_space<vmem>>, vector<16xf32>,
      %get3A_432 = arith.index_cast %add3A_397 : i32 to index
      %get3A_433 = arith.constant 32 : index
      %get3A_434 = tpu.vector_load %arg11[%get3A_432, %get3A_433] {strides = array<i32>} : memref<128x64xf32, #tpu.memory_space<vmem>>, vector<16xf32>,
      %get3A_435 = arith.index_cast %add3A_397 : i32 to index
      %get3A_436 = arith.constant 48 : index
      %get3A_437 = tpu.vector_load %arg11[%get3A_435, %get3A_436] {strides = array<i32>} : memref<128x64xf32, #tpu.memory_space<vmem>>, vector<16xf32>,
      %add3A_438 = arith.addf %mul3A_422, %mul3A_423 : vector<16xf32>
      %add3A_439 = arith.addf %mul3A_424, %mul3A_425 : vector<16xf32>
      %add3A_440 = arith.addf %add3A_438, %add3A_439 : vector<16xf32>
      %mul3A_441 = arith.mulf %mul3A_422, %mul3A_422 : vector<16xf32>
      %mul3A_442 = arith.mulf %mul3A_423, %mul3A_423 : vector<16xf32>
      %add3A_443 = arith.addf %mul3A_441, %mul3A_442 : vector<16xf32>
      %mul3A_444 = arith.mulf %mul3A_424, %mul3A_424 : vector<16xf32>
      %mul3A_445 = arith.mulf %mul3A_425, %mul3A_425 : vector<16xf32>
      %add3A_446 = arith.addf %mul3A_444, %mul3A_445 : vector<16xf32>
      %add3A_447 = arith.addf %add3A_443, %add3A_446 : vector<16xf32>
      %max3A_448 = arith.maximumf %mul3A_422, %mul3A_423 : vector<16xf32>
      %max3A_449 = arith.maximumf %mul3A_424, %mul3A_425 : vector<16xf32>
      %max3A_450 = arith.maximumf %max3A_448, %max3A_449 : vector<16xf32>
      %add3A_451 = arith.addf %get3A_415, %get3A_417 : vector<16xf32>
      %add3A_452 = arith.addf %get3A_419, %get3A_421 : vector<16xf32>
      %add3A_453 = arith.addf %add3A_451, %add3A_452 : vector<16xf32>
      %add3A_454 = arith.addf %get3A_428, %get3A_431 : vector<16xf32>
      %add3A_455 = arith.addf %get3A_434, %get3A_437 : vector<16xf32>
      %add3A_456 = arith.addf %add3A_454, %add3A_455 : vector<16xf32>
      %mul3A_457 = arith.mulf %get3A_415, %get3A_428 : vector<16xf32>
      %mul3A_458 = arith.mulf %get3A_417, %get3A_431 : vector<16xf32>
      %add3A_459 = arith.addf %mul3A_457, %mul3A_458 : vector<16xf32>
      %mul3A_460 = arith.mulf %get3A_419, %get3A_434 : vector<16xf32>
      %mul3A_461 = arith.mulf %get3A_421, %get3A_437 : vector<16xf32>
      %add3A_462 = arith.addf %mul3A_460, %mul3A_461 : vector<16xf32>
      %add3A_463 = arith.addf %add3A_459, %add3A_462 : vector<16xf32>
      %reduce_sum3A_464 = arith.constant true
      %reduce_sum3A_465 = vector.broadcast %reduce_sum3A_464 : i1 to vector<16xi1>
      %reduce_sum3A_466 = tpu.scan <sum>, %add3A_440 masked %reduce_sum3A_465 : vector<16xf32>, vector<16xi1> -> vector<16xf32>
      %reduce_sum3A_467 = vector.extract %reduce_sum3A_466[15] : f32 from vector<16xf32>
      %reduce_sum3A_468 = arith.constant true
      %reduce_sum3A_469 = vector.broadcast %reduce_sum3A_468 : i1 to vector<16xi1>
      %reduce_sum3A_470 = tpu.scan <sum>, %add3A_447 masked %reduce_sum3A_469 : vector<16xf32>, vector<16xi1> -> vector<16xf32>
      %reduce_sum3A_471 = vector.extract %reduce_sum3A_470[15] : f32 from vector<16xf32>
      %reduce_max3A_472 = arith.constant true
      %reduce_max3A_473 = vector.broadcast %reduce_max3A_472 : i1 to vector<16xi1>
      %reduce_max3A_474 = tpu.scan <max>, %max3A_450 masked %reduce_max3A_473 : vector<16xf32>, vector<16xi1> -> vector<16xf32>
      %reduce_max3A_475 = vector.extract %reduce_max3A_474[15] : f32 from vector<16xf32>
      %reduce_sum3A_476 = arith.constant true
      %reduce_sum3A_477 = vector.broadcast %reduce_sum3A_476 : i1 to vector<16xi1>
      %reduce_sum3A_478 = tpu.scan <sum>, %add3A_453 masked %reduce_sum3A_477 : vector<16xf32>, vector<16xi1> -> vector<16xf32>
      %reduce_sum3A_479 = vector.extract %reduce_sum3A_478[15] : f32 from vector<16xf32>
      %reduce_sum3A_480 = arith.constant true
      %reduce_sum3A_481 = vector.broadcast %reduce_sum3A_480 : i1 to vector<16xi1>
      %reduce_sum3A_482 = tpu.scan <sum>, %add3A_456 masked %reduce_sum3A_481 : vector<16xf32>, vector<16xi1> -> vector<16xf32>
      %reduce_sum3A_483 = vector.extract %reduce_sum3A_482[15] : f32 from vector<16xf32>
      %reduce_sum3A_484 = arith.constant true
      %reduce_sum3A_485 = vector.broadcast %reduce_sum3A_484 : i1 to vector<16xi1>
      %reduce_sum3A_486 = tpu.scan <sum>, %add3A_463 masked %reduce_sum3A_485 : vector<16xf32>, vector<16xi1> -> vector<16xf32>
      %reduce_sum3A_487 = vector.extract %reduce_sum3A_486[15] : f32 from vector<16xf32>
      %mul3A_488 = arith.mulf %reduce_sum3A_467, %reduce_sum3A_467 : f32
      %mul3A_489 = arith.constant 1.562500e-02 : f32
      %mul3A_490 = arith.mulf %mul3A_488, %mul3A_489 : f32
      %sub3A_491 = arith.subf %reduce_sum3A_471, %mul3A_490 : f32
      %mul3A_492 = arith.constant 0.0158730168 : f32
      %mul3A_493 = arith.mulf %sub3A_491, %mul3A_492 : f32
      %add3A_494 = arith.addf %add3A_383, %mul3A_493 : f32
      %add3A_495 = arith.addf %add3A_384, %reduce_max3A_475 : f32
      %add3A_496 = arith.constant 9.99999993E-9 : f32
      %add3A_497 = arith.addf %reduce_sum3A_479, %add3A_496 : f32
      %add3A_498 = arith.constant 9.99999993E-9 : f32
      %add3A_499 = arith.addf %reduce_sum3A_483, %add3A_498 : f32
      %mul3A_500 = arith.mulf %add3A_497, %add3A_499 : f32
      %broadcast_in_dim3A_501 = vector.broadcast %reduce_sum3A_487 : f32 to vector<16xf32>
      %broadcast_in_dim3A_502 = vector.broadcast %mul3A_500 : f32 to vector<16xf32>
      %div3A_503 = arith.divf %broadcast_in_dim3A_501, %broadcast_in_dim3A_502 : vector<16xf32>
      %add3A_504 = arith.addf %add3A_393, %div3A_503 : vector<16xf32>
      %mul3A_505 = arith.constant 8 : i32
      %mul3A_506 = arith.muli %scan3A_58, %mul3A_505 : i32
      %add3A_507 = arith.constant 4 : i32
      %add3A_508 = arith.addi %mul3A_506, %add3A_507 : i32
      %swap3A_509 = arith.constant 0 : index
      %swap3A_510 = tpu.vector_load %arg13[%swap3A_509] {strides = array<i32>} : memref<64xf32, #tpu.memory_space<vmem>>, vector<16xf32>,
      tpu.vector_store %arg13[%swap3A_509], %broadcast_in_dim3A_33 {strides = array<i32>} : memref<64xf32, #tpu.memory_space<vmem>>, vector<16xf32>,
      %swap3A_511 = arith.constant 16 : index
      %swap3A_512 = tpu.vector_load %arg13[%swap3A_511] {strides = array<i32>} : memref<64xf32, #tpu.memory_space<vmem>>, vector<16xf32>,
      tpu.vector_store %arg13[%swap3A_511], %broadcast_in_dim3A_33 {strides = array<i32>} : memref<64xf32, #tpu.memory_space<vmem>>, vector<16xf32>,
      %swap3A_513 = arith.constant 32 : index
      %swap3A_514 = tpu.vector_load %arg13[%swap3A_513] {strides = array<i32>} : memref<64xf32, #tpu.memory_space<vmem>>, vector<16xf32>,
      tpu.vector_store %arg13[%swap3A_513], %broadcast_in_dim3A_33 {strides = array<i32>} : memref<64xf32, #tpu.memory_space<vmem>>, vector<16xf32>,
      %swap3A_515 = arith.constant 48 : index
      %swap3A_516 = tpu.vector_load %arg13[%swap3A_515] {strides = array<i32>} : memref<64xf32, #tpu.memory_space<vmem>>, vector<16xf32>,
      tpu.vector_store %arg13[%swap3A_515], %broadcast_in_dim3A_33 {strides = array<i32>} : memref<64xf32, #tpu.memory_space<vmem>>, vector<16xf32>,
      %broadcast_in_dim3A_517 = vector.broadcast %add3A_508 : i32 to vector<16xi32>
      %scan3A_518 = arith.constant 0 : i32
      %scan3A_519 = arith.constant 0 : i32
      %scan3A_520 = arith.constant 64 : i32
      %scan3A_521 = arith.addi %scan3A_519, %scan3A_520 : i32
      %scan3A_522 = arith.constant 1 : i32
      %scan3A_523 = scf.for %scan3A_949 = %scan3A_519 to %scan3A_521 step %scan3A_522 iter_args(%scan3A_950 = %scan3A_518) -> (i32)  : i32 {
        %broadcast_in_dim3A_951 = vector.broadcast %scan3A_949 : i32 to vector<16xi32>
        %gather3A = tpu.vector_load_idx %arg10[%broadcast_in_dim3A_517, %broadcast_in_dim3A_951] : memref<128x64xf32, #tpu.memory_space<vmem>>[vector<16xi32>, vector<16xi32>], vector<16xf32>,
        %mul3A_952 = arith.constant 32 : i32
        %mul3A_953 = arith.muli %mul3A_952, %scan3A_949 : i32
        %add3A_954 = arith.constant 0 : i32
        %add3A_955 = arith.addi %mul3A_953, %add3A_954 : i32
        %get3A_956 = arith.index_cast %add3A_955 : i32 to index
        %get3A_957 = tpu.vector_load %arg8[%get3A_956] {strides = array<i32>} : memref<2048xi32, #tpu.memory_space<vmem>>, vector<16xi32>,
        %get3A_958 = arith.constant 4 : i32
        %get3A_959 = arith.index_cast %get3A_958 : i32 to index
        %get3A_960 = arith.index_cast %add3A_955 : i32 to index
        %get3A_961 = tpu.vector_load %arg12[%get3A_959, %get3A_960] {strides = array<i32>} : memref<8x2048xf32, #tpu.memory_space<vmem>>, vector<16xf32>,
        %mul3A_962 = arith.mulf %get3A_961, %gather3A : vector<16xf32>
        tpu.vector_store_idx %arg13[%get3A_957], %mul3A_962 {add = true} : memref<64xf32, #tpu.memory_space<vmem>>[vector<16xi32>], vector<16xf32>,
        %mul3A_963 = arith.constant 32 : i32
        %mul3A_964 = arith.muli %mul3A_963, %scan3A_949 : i32
        %add3A_965 = arith.constant 16 : i32
        %add3A_966 = arith.addi %mul3A_964, %add3A_965 : i32
        %get3A_967 = arith.index_cast %add3A_966 : i32 to index
        %get3A_968 = tpu.vector_load %arg8[%get3A_967] {strides = array<i32>} : memref<2048xi32, #tpu.memory_space<vmem>>, vector<16xi32>,
        %get3A_969 = arith.constant 4 : i32
        %get3A_970 = arith.index_cast %get3A_969 : i32 to index
        %get3A_971 = arith.index_cast %add3A_966 : i32 to index
        %get3A_972 = tpu.vector_load %arg12[%get3A_970, %get3A_971] {strides = array<i32>} : memref<8x2048xf32, #tpu.memory_space<vmem>>, vector<16xf32>,
        %mul3A_973 = arith.mulf %get3A_972, %gather3A : vector<16xf32>
        tpu.vector_store_idx %arg13[%get3A_968], %mul3A_973 {add = true} : memref<64xf32, #tpu.memory_space<vmem>>[vector<16xi32>], vector<16xf32>,
        %scan3A_974 = arith.constant 0 : i32
        scf.yield %scan3A_974 : i32
      }
      %scan3A_524 = arith.constant 64 : i32
      %get3A_525 = arith.constant 0 : index
      %get3A_526 = tpu.vector_load %arg13[%get3A_525] {strides = array<i32>} : memref<64xf32, #tpu.memory_space<vmem>>, vector<16xf32>,
      %get3A_527 = arith.constant 16 : index
      %get3A_528 = tpu.vector_load %arg13[%get3A_527] {strides = array<i32>} : memref<64xf32, #tpu.memory_space<vmem>>, vector<16xf32>,
      %get3A_529 = arith.constant 32 : index
      %get3A_530 = tpu.vector_load %arg13[%get3A_529] {strides = array<i32>} : memref<64xf32, #tpu.memory_space<vmem>>, vector<16xf32>,
      %get3A_531 = arith.constant 48 : index
      %get3A_532 = tpu.vector_load %arg13[%get3A_531] {strides = array<i32>} : memref<64xf32, #tpu.memory_space<vmem>>, vector<16xf32>,
      %mul3A_533 = arith.mulf %get3A_526, %div3A_8 : vector<16xf32>
      %mul3A_534 = arith.mulf %get3A_528, %div3A_16 : vector<16xf32>
      %mul3A_535 = arith.mulf %get3A_530, %div3A_24 : vector<16xf32>
      %mul3A_536 = arith.mulf %get3A_532, %div3A_32 : vector<16xf32>
      %get3A_537 = arith.index_cast %add3A_508 : i32 to index
      %get3A_538 = arith.constant 0 : index
      %get3A_539 = tpu.vector_load %arg11[%get3A_537, %get3A_538] {strides = array<i32>} : memref<128x64xf32, #tpu.memory_space<vmem>>, vector<16xf32>,
      %get3A_540 = arith.index_cast %add3A_508 : i32 to index
      %get3A_541 = arith.constant 16 : index
      %get3A_542 = tpu.vector_load %arg11[%get3A_540, %get3A_541] {strides = array<i32>} : memref<128x64xf32, #tpu.memory_space<vmem>>, vector<16xf32>,
      %get3A_543 = arith.index_cast %add3A_508 : i32 to index
      %get3A_544 = arith.constant 32 : index
      %get3A_545 = tpu.vector_load %arg11[%get3A_543, %get3A_544] {strides = array<i32>} : memref<128x64xf32, #tpu.memory_space<vmem>>, vector<16xf32>,
      %get3A_546 = arith.index_cast %add3A_508 : i32 to index
      %get3A_547 = arith.constant 48 : index
      %get3A_548 = tpu.vector_load %arg11[%get3A_546, %get3A_547] {strides = array<i32>} : memref<128x64xf32, #tpu.memory_space<vmem>>, vector<16xf32>,
      %add3A_549 = arith.addf %mul3A_533, %mul3A_534 : vector<16xf32>
      %add3A_550 = arith.addf %mul3A_535, %mul3A_536 : vector<16xf32>
      %add3A_551 = arith.addf %add3A_549, %add3A_550 : vector<16xf32>
      %mul3A_552 = arith.mulf %mul3A_533, %mul3A_533 : vector<16xf32>
      %mul3A_553 = arith.mulf %mul3A_534, %mul3A_534 : vector<16xf32>
      %add3A_554 = arith.addf %mul3A_552, %mul3A_553 : vector<16xf32>
      %mul3A_555 = arith.mulf %mul3A_535, %mul3A_535 : vector<16xf32>
      %mul3A_556 = arith.mulf %mul3A_536, %mul3A_536 : vector<16xf32>
      %add3A_557 = arith.addf %mul3A_555, %mul3A_556 : vector<16xf32>
      %add3A_558 = arith.addf %add3A_554, %add3A_557 : vector<16xf32>
      %max3A_559 = arith.maximumf %mul3A_533, %mul3A_534 : vector<16xf32>
      %max3A_560 = arith.maximumf %mul3A_535, %mul3A_536 : vector<16xf32>
      %max3A_561 = arith.maximumf %max3A_559, %max3A_560 : vector<16xf32>
      %add3A_562 = arith.addf %get3A_526, %get3A_528 : vector<16xf32>
      %add3A_563 = arith.addf %get3A_530, %get3A_532 : vector<16xf32>
      %add3A_564 = arith.addf %add3A_562, %add3A_563 : vector<16xf32>
      %add3A_565 = arith.addf %get3A_539, %get3A_542 : vector<16xf32>
      %add3A_566 = arith.addf %get3A_545, %get3A_548 : vector<16xf32>
      %add3A_567 = arith.addf %add3A_565, %add3A_566 : vector<16xf32>
      %mul3A_568 = arith.mulf %get3A_526, %get3A_539 : vector<16xf32>
      %mul3A_569 = arith.mulf %get3A_528, %get3A_542 : vector<16xf32>
      %add3A_570 = arith.addf %mul3A_568, %mul3A_569 : vector<16xf32>
      %mul3A_571 = arith.mulf %get3A_530, %get3A_545 : vector<16xf32>
      %mul3A_572 = arith.mulf %get3A_532, %get3A_548 : vector<16xf32>
      %add3A_573 = arith.addf %mul3A_571, %mul3A_572 : vector<16xf32>
      %add3A_574 = arith.addf %add3A_570, %add3A_573 : vector<16xf32>
      %reduce_sum3A_575 = arith.constant true
      %reduce_sum3A_576 = vector.broadcast %reduce_sum3A_575 : i1 to vector<16xi1>
      %reduce_sum3A_577 = tpu.scan <sum>, %add3A_551 masked %reduce_sum3A_576 : vector<16xf32>, vector<16xi1> -> vector<16xf32>
      %reduce_sum3A_578 = vector.extract %reduce_sum3A_577[15] : f32 from vector<16xf32>
      %reduce_sum3A_579 = arith.constant true
      %reduce_sum3A_580 = vector.broadcast %reduce_sum3A_579 : i1 to vector<16xi1>
      %reduce_sum3A_581 = tpu.scan <sum>, %add3A_558 masked %reduce_sum3A_580 : vector<16xf32>, vector<16xi1> -> vector<16xf32>
      %reduce_sum3A_582 = vector.extract %reduce_sum3A_581[15] : f32 from vector<16xf32>
      %reduce_max3A_583 = arith.constant true
      %reduce_max3A_584 = vector.broadcast %reduce_max3A_583 : i1 to vector<16xi1>
      %reduce_max3A_585 = tpu.scan <max>, %max3A_561 masked %reduce_max3A_584 : vector<16xf32>, vector<16xi1> -> vector<16xf32>
      %reduce_max3A_586 = vector.extract %reduce_max3A_585[15] : f32 from vector<16xf32>
      %reduce_sum3A_587 = arith.constant true
      %reduce_sum3A_588 = vector.broadcast %reduce_sum3A_587 : i1 to vector<16xi1>
      %reduce_sum3A_589 = tpu.scan <sum>, %add3A_564 masked %reduce_sum3A_588 : vector<16xf32>, vector<16xi1> -> vector<16xf32>
      %reduce_sum3A_590 = vector.extract %reduce_sum3A_589[15] : f32 from vector<16xf32>
      %reduce_sum3A_591 = arith.constant true
      %reduce_sum3A_592 = vector.broadcast %reduce_sum3A_591 : i1 to vector<16xi1>
      %reduce_sum3A_593 = tpu.scan <sum>, %add3A_567 masked %reduce_sum3A_592 : vector<16xf32>, vector<16xi1> -> vector<16xf32>
      %reduce_sum3A_594 = vector.extract %reduce_sum3A_593[15] : f32 from vector<16xf32>
      %reduce_sum3A_595 = arith.constant true
      %reduce_sum3A_596 = vector.broadcast %reduce_sum3A_595 : i1 to vector<16xi1>
      %reduce_sum3A_597 = tpu.scan <sum>, %add3A_574 masked %reduce_sum3A_596 : vector<16xf32>, vector<16xi1> -> vector<16xf32>
      %reduce_sum3A_598 = vector.extract %reduce_sum3A_597[15] : f32 from vector<16xf32>
      %mul3A_599 = arith.mulf %reduce_sum3A_578, %reduce_sum3A_578 : f32
      %mul3A_600 = arith.constant 1.562500e-02 : f32
      %mul3A_601 = arith.mulf %mul3A_599, %mul3A_600 : f32
      %sub3A_602 = arith.subf %reduce_sum3A_582, %mul3A_601 : f32
      %mul3A_603 = arith.constant 0.0158730168 : f32
      %mul3A_604 = arith.mulf %sub3A_602, %mul3A_603 : f32
      %add3A_605 = arith.addf %add3A_494, %mul3A_604 : f32
      %add3A_606 = arith.addf %add3A_495, %reduce_max3A_586 : f32
      %add3A_607 = arith.constant 9.99999993E-9 : f32
      %add3A_608 = arith.addf %reduce_sum3A_590, %add3A_607 : f32
      %add3A_609 = arith.constant 9.99999993E-9 : f32
      %add3A_610 = arith.addf %reduce_sum3A_594, %add3A_609 : f32
      %mul3A_611 = arith.mulf %add3A_608, %add3A_610 : f32
      %broadcast_in_dim3A_612 = vector.broadcast %reduce_sum3A_598 : f32 to vector<16xf32>
      %broadcast_in_dim3A_613 = vector.broadcast %mul3A_611 : f32 to vector<16xf32>
      %div3A_614 = arith.divf %broadcast_in_dim3A_612, %broadcast_in_dim3A_613 : vector<16xf32>
      %add3A_615 = arith.addf %add3A_504, %div3A_614 : vector<16xf32>
      %mul3A_616 = arith.constant 8 : i32
      %mul3A_617 = arith.muli %scan3A_58, %mul3A_616 : i32
      %add3A_618 = arith.constant 5 : i32
      %add3A_619 = arith.addi %mul3A_617, %add3A_618 : i32
      %swap3A_620 = arith.constant 0 : index
      %swap3A_621 = tpu.vector_load %arg13[%swap3A_620] {strides = array<i32>} : memref<64xf32, #tpu.memory_space<vmem>>, vector<16xf32>,
      tpu.vector_store %arg13[%swap3A_620], %broadcast_in_dim3A_33 {strides = array<i32>} : memref<64xf32, #tpu.memory_space<vmem>>, vector<16xf32>,
      %swap3A_622 = arith.constant 16 : index
      %swap3A_623 = tpu.vector_load %arg13[%swap3A_622] {strides = array<i32>} : memref<64xf32, #tpu.memory_space<vmem>>, vector<16xf32>,
      tpu.vector_store %arg13[%swap3A_622], %broadcast_in_dim3A_33 {strides = array<i32>} : memref<64xf32, #tpu.memory_space<vmem>>, vector<16xf32>,
      %swap3A_624 = arith.constant 32 : index
      %swap3A_625 = tpu.vector_load %arg13[%swap3A_624] {strides = array<i32>} : memref<64xf32, #tpu.memory_space<vmem>>, vector<16xf32>,
      tpu.vector_store %arg13[%swap3A_624], %broadcast_in_dim3A_33 {strides = array<i32>} : memref<64xf32, #tpu.memory_space<vmem>>, vector<16xf32>,
      %swap3A_626 = arith.constant 48 : index
      %swap3A_627 = tpu.vector_load %arg13[%swap3A_626] {strides = array<i32>} : memref<64xf32, #tpu.memory_space<vmem>>, vector<16xf32>,
      tpu.vector_store %arg13[%swap3A_626], %broadcast_in_dim3A_33 {strides = array<i32>} : memref<64xf32, #tpu.memory_space<vmem>>, vector<16xf32>,
      %broadcast_in_dim3A_628 = vector.broadcast %add3A_619 : i32 to vector<16xi32>
      %scan3A_629 = arith.constant 0 : i32
      %scan3A_630 = arith.constant 0 : i32
      %scan3A_631 = arith.constant 64 : i32
      %scan3A_632 = arith.addi %scan3A_630, %scan3A_631 : i32
      %scan3A_633 = arith.constant 1 : i32
      %scan3A_634 = scf.for %scan3A_949 = %scan3A_630 to %scan3A_632 step %scan3A_633 iter_args(%scan3A_950 = %scan3A_629) -> (i32)  : i32 {
        %broadcast_in_dim3A_951 = vector.broadcast %scan3A_949 : i32 to vector<16xi32>
        %gather3A = tpu.vector_load_idx %arg10[%broadcast_in_dim3A_628, %broadcast_in_dim3A_951] : memref<128x64xf32, #tpu.memory_space<vmem>>[vector<16xi32>, vector<16xi32>], vector<16xf32>,
        %mul3A_952 = arith.constant 32 : i32
        %mul3A_953 = arith.muli %mul3A_952, %scan3A_949 : i32
        %add3A_954 = arith.constant 0 : i32
        %add3A_955 = arith.addi %mul3A_953, %add3A_954 : i32
        %get3A_956 = arith.index_cast %add3A_955 : i32 to index
        %get3A_957 = tpu.vector_load %arg8[%get3A_956] {strides = array<i32>} : memref<2048xi32, #tpu.memory_space<vmem>>, vector<16xi32>,
        %get3A_958 = arith.constant 5 : i32
        %get3A_959 = arith.index_cast %get3A_958 : i32 to index
        %get3A_960 = arith.index_cast %add3A_955 : i32 to index
        %get3A_961 = tpu.vector_load %arg12[%get3A_959, %get3A_960] {strides = array<i32>} : memref<8x2048xf32, #tpu.memory_space<vmem>>, vector<16xf32>,
        %mul3A_962 = arith.mulf %get3A_961, %gather3A : vector<16xf32>
        tpu.vector_store_idx %arg13[%get3A_957], %mul3A_962 {add = true} : memref<64xf32, #tpu.memory_space<vmem>>[vector<16xi32>], vector<16xf32>,
        %mul3A_963 = arith.constant 32 : i32
        %mul3A_964 = arith.muli %mul3A_963, %scan3A_949 : i32
        %add3A_965 = arith.constant 16 : i32
        %add3A_966 = arith.addi %mul3A_964, %add3A_965 : i32
        %get3A_967 = arith.index_cast %add3A_966 : i32 to index
        %get3A_968 = tpu.vector_load %arg8[%get3A_967] {strides = array<i32>} : memref<2048xi32, #tpu.memory_space<vmem>>, vector<16xi32>,
        %get3A_969 = arith.constant 5 : i32
        %get3A_970 = arith.index_cast %get3A_969 : i32 to index
        %get3A_971 = arith.index_cast %add3A_966 : i32 to index
        %get3A_972 = tpu.vector_load %arg12[%get3A_970, %get3A_971] {strides = array<i32>} : memref<8x2048xf32, #tpu.memory_space<vmem>>, vector<16xf32>,
        %mul3A_973 = arith.mulf %get3A_972, %gather3A : vector<16xf32>
        tpu.vector_store_idx %arg13[%get3A_968], %mul3A_973 {add = true} : memref<64xf32, #tpu.memory_space<vmem>>[vector<16xi32>], vector<16xf32>,
        %scan3A_974 = arith.constant 0 : i32
        scf.yield %scan3A_974 : i32
      }
      %scan3A_635 = arith.constant 64 : i32
      %get3A_636 = arith.constant 0 : index
      %get3A_637 = tpu.vector_load %arg13[%get3A_636] {strides = array<i32>} : memref<64xf32, #tpu.memory_space<vmem>>, vector<16xf32>,
      %get3A_638 = arith.constant 16 : index
      %get3A_639 = tpu.vector_load %arg13[%get3A_638] {strides = array<i32>} : memref<64xf32, #tpu.memory_space<vmem>>, vector<16xf32>,
      %get3A_640 = arith.constant 32 : index
      %get3A_641 = tpu.vector_load %arg13[%get3A_640] {strides = array<i32>} : memref<64xf32, #tpu.memory_space<vmem>>, vector<16xf32>,
      %get3A_642 = arith.constant 48 : index
      %get3A_643 = tpu.vector_load %arg13[%get3A_642] {strides = array<i32>} : memref<64xf32, #tpu.memory_space<vmem>>, vector<16xf32>,
      %mul3A_644 = arith.mulf %get3A_637, %div3A_8 : vector<16xf32>
      %mul3A_645 = arith.mulf %get3A_639, %div3A_16 : vector<16xf32>
      %mul3A_646 = arith.mulf %get3A_641, %div3A_24 : vector<16xf32>
      %mul3A_647 = arith.mulf %get3A_643, %div3A_32 : vector<16xf32>
      %get3A_648 = arith.index_cast %add3A_619 : i32 to index
      %get3A_649 = arith.constant 0 : index
      %get3A_650 = tpu.vector_load %arg11[%get3A_648, %get3A_649] {strides = array<i32>} : memref<128x64xf32, #tpu.memory_space<vmem>>, vector<16xf32>,
      %get3A_651 = arith.index_cast %add3A_619 : i32 to index
      %get3A_652 = arith.constant 16 : index
      %get3A_653 = tpu.vector_load %arg11[%get3A_651, %get3A_652] {strides = array<i32>} : memref<128x64xf32, #tpu.memory_space<vmem>>, vector<16xf32>,
      %get3A_654 = arith.index_cast %add3A_619 : i32 to index
      %get3A_655 = arith.constant 32 : index
      %get3A_656 = tpu.vector_load %arg11[%get3A_654, %get3A_655] {strides = array<i32>} : memref<128x64xf32, #tpu.memory_space<vmem>>, vector<16xf32>,
      %get3A_657 = arith.index_cast %add3A_619 : i32 to index
      %get3A_658 = arith.constant 48 : index
      %get3A_659 = tpu.vector_load %arg11[%get3A_657, %get3A_658] {strides = array<i32>} : memref<128x64xf32, #tpu.memory_space<vmem>>, vector<16xf32>,
      %add3A_660 = arith.addf %mul3A_644, %mul3A_645 : vector<16xf32>
      %add3A_661 = arith.addf %mul3A_646, %mul3A_647 : vector<16xf32>
      %add3A_662 = arith.addf %add3A_660, %add3A_661 : vector<16xf32>
      %mul3A_663 = arith.mulf %mul3A_644, %mul3A_644 : vector<16xf32>
      %mul3A_664 = arith.mulf %mul3A_645, %mul3A_645 : vector<16xf32>
      %add3A_665 = arith.addf %mul3A_663, %mul3A_664 : vector<16xf32>
      %mul3A_666 = arith.mulf %mul3A_646, %mul3A_646 : vector<16xf32>
      %mul3A_667 = arith.mulf %mul3A_647, %mul3A_647 : vector<16xf32>
      %add3A_668 = arith.addf %mul3A_666, %mul3A_667 : vector<16xf32>
      %add3A_669 = arith.addf %add3A_665, %add3A_668 : vector<16xf32>
      %max3A_670 = arith.maximumf %mul3A_644, %mul3A_645 : vector<16xf32>
      %max3A_671 = arith.maximumf %mul3A_646, %mul3A_647 : vector<16xf32>
      %max3A_672 = arith.maximumf %max3A_670, %max3A_671 : vector<16xf32>
      %add3A_673 = arith.addf %get3A_637, %get3A_639 : vector<16xf32>
      %add3A_674 = arith.addf %get3A_641, %get3A_643 : vector<16xf32>
      %add3A_675 = arith.addf %add3A_673, %add3A_674 : vector<16xf32>
      %add3A_676 = arith.addf %get3A_650, %get3A_653 : vector<16xf32>
      %add3A_677 = arith.addf %get3A_656, %get3A_659 : vector<16xf32>
      %add3A_678 = arith.addf %add3A_676, %add3A_677 : vector<16xf32>
      %mul3A_679 = arith.mulf %get3A_637, %get3A_650 : vector<16xf32>
      %mul3A_680 = arith.mulf %get3A_639, %get3A_653 : vector<16xf32>
      %add3A_681 = arith.addf %mul3A_679, %mul3A_680 : vector<16xf32>
      %mul3A_682 = arith.mulf %get3A_641, %get3A_656 : vector<16xf32>
      %mul3A_683 = arith.mulf %get3A_643, %get3A_659 : vector<16xf32>
      %add3A_684 = arith.addf %mul3A_682, %mul3A_683 : vector<16xf32>
      %add3A_685 = arith.addf %add3A_681, %add3A_684 : vector<16xf32>
      %reduce_sum3A_686 = arith.constant true
      %reduce_sum3A_687 = vector.broadcast %reduce_sum3A_686 : i1 to vector<16xi1>
      %reduce_sum3A_688 = tpu.scan <sum>, %add3A_662 masked %reduce_sum3A_687 : vector<16xf32>, vector<16xi1> -> vector<16xf32>
      %reduce_sum3A_689 = vector.extract %reduce_sum3A_688[15] : f32 from vector<16xf32>
      %reduce_sum3A_690 = arith.constant true
      %reduce_sum3A_691 = vector.broadcast %reduce_sum3A_690 : i1 to vector<16xi1>
      %reduce_sum3A_692 = tpu.scan <sum>, %add3A_669 masked %reduce_sum3A_691 : vector<16xf32>, vector<16xi1> -> vector<16xf32>
      %reduce_sum3A_693 = vector.extract %reduce_sum3A_692[15] : f32 from vector<16xf32>
      %reduce_max3A_694 = arith.constant true
      %reduce_max3A_695 = vector.broadcast %reduce_max3A_694 : i1 to vector<16xi1>
      %reduce_max3A_696 = tpu.scan <max>, %max3A_672 masked %reduce_max3A_695 : vector<16xf32>, vector<16xi1> -> vector<16xf32>
      %reduce_max3A_697 = vector.extract %reduce_max3A_696[15] : f32 from vector<16xf32>
      %reduce_sum3A_698 = arith.constant true
      %reduce_sum3A_699 = vector.broadcast %reduce_sum3A_698 : i1 to vector<16xi1>
      %reduce_sum3A_700 = tpu.scan <sum>, %add3A_675 masked %reduce_sum3A_699 : vector<16xf32>, vector<16xi1> -> vector<16xf32>
      %reduce_sum3A_701 = vector.extract %reduce_sum3A_700[15] : f32 from vector<16xf32>
      %reduce_sum3A_702 = arith.constant true
      %reduce_sum3A_703 = vector.broadcast %reduce_sum3A_702 : i1 to vector<16xi1>
      %reduce_sum3A_704 = tpu.scan <sum>, %add3A_678 masked %reduce_sum3A_703 : vector<16xf32>, vector<16xi1> -> vector<16xf32>
      %reduce_sum3A_705 = vector.extract %reduce_sum3A_704[15] : f32 from vector<16xf32>
      %reduce_sum3A_706 = arith.constant true
      %reduce_sum3A_707 = vector.broadcast %reduce_sum3A_706 : i1 to vector<16xi1>
      %reduce_sum3A_708 = tpu.scan <sum>, %add3A_685 masked %reduce_sum3A_707 : vector<16xf32>, vector<16xi1> -> vector<16xf32>
      %reduce_sum3A_709 = vector.extract %reduce_sum3A_708[15] : f32 from vector<16xf32>
      %mul3A_710 = arith.mulf %reduce_sum3A_689, %reduce_sum3A_689 : f32
      %mul3A_711 = arith.constant 1.562500e-02 : f32
      %mul3A_712 = arith.mulf %mul3A_710, %mul3A_711 : f32
      %sub3A_713 = arith.subf %reduce_sum3A_693, %mul3A_712 : f32
      %mul3A_714 = arith.constant 0.0158730168 : f32
      %mul3A_715 = arith.mulf %sub3A_713, %mul3A_714 : f32
      %add3A_716 = arith.addf %add3A_605, %mul3A_715 : f32
      %add3A_717 = arith.addf %add3A_606, %reduce_max3A_697 : f32
      %add3A_718 = arith.constant 9.99999993E-9 : f32
      %add3A_719 = arith.addf %reduce_sum3A_701, %add3A_718 : f32
      %add3A_720 = arith.constant 9.99999993E-9 : f32
      %add3A_721 = arith.addf %reduce_sum3A_705, %add3A_720 : f32
      %mul3A_722 = arith.mulf %add3A_719, %add3A_721 : f32
      %broadcast_in_dim3A_723 = vector.broadcast %reduce_sum3A_709 : f32 to vector<16xf32>
      %broadcast_in_dim3A_724 = vector.broadcast %mul3A_722 : f32 to vector<16xf32>
      %div3A_725 = arith.divf %broadcast_in_dim3A_723, %broadcast_in_dim3A_724 : vector<16xf32>
      %add3A_726 = arith.addf %add3A_615, %div3A_725 : vector<16xf32>
      %mul3A_727 = arith.constant 8 : i32
      %mul3A_728 = arith.muli %scan3A_58, %mul3A_727 : i32
      %add3A_729 = arith.constant 6 : i32
      %add3A_730 = arith.addi %mul3A_728, %add3A_729 : i32
      %swap3A_731 = arith.constant 0 : index
      %swap3A_732 = tpu.vector_load %arg13[%swap3A_731] {strides = array<i32>} : memref<64xf32, #tpu.memory_space<vmem>>, vector<16xf32>,
      tpu.vector_store %arg13[%swap3A_731], %broadcast_in_dim3A_33 {strides = array<i32>} : memref<64xf32, #tpu.memory_space<vmem>>, vector<16xf32>,
      %swap3A_733 = arith.constant 16 : index
      %swap3A_734 = tpu.vector_load %arg13[%swap3A_733] {strides = array<i32>} : memref<64xf32, #tpu.memory_space<vmem>>, vector<16xf32>,
      tpu.vector_store %arg13[%swap3A_733], %broadcast_in_dim3A_33 {strides = array<i32>} : memref<64xf32, #tpu.memory_space<vmem>>, vector<16xf32>,
      %swap3A_735 = arith.constant 32 : index
      %swap3A_736 = tpu.vector_load %arg13[%swap3A_735] {strides = array<i32>} : memref<64xf32, #tpu.memory_space<vmem>>, vector<16xf32>,
      tpu.vector_store %arg13[%swap3A_735], %broadcast_in_dim3A_33 {strides = array<i32>} : memref<64xf32, #tpu.memory_space<vmem>>, vector<16xf32>,
      %swap3A_737 = arith.constant 48 : index
      %swap3A_738 = tpu.vector_load %arg13[%swap3A_737] {strides = array<i32>} : memref<64xf32, #tpu.memory_space<vmem>>, vector<16xf32>,
      tpu.vector_store %arg13[%swap3A_737], %broadcast_in_dim3A_33 {strides = array<i32>} : memref<64xf32, #tpu.memory_space<vmem>>, vector<16xf32>,
      %broadcast_in_dim3A_739 = vector.broadcast %add3A_730 : i32 to vector<16xi32>
      %scan3A_740 = arith.constant 0 : i32
      %scan3A_741 = arith.constant 0 : i32
      %scan3A_742 = arith.constant 64 : i32
      %scan3A_743 = arith.addi %scan3A_741, %scan3A_742 : i32
      %scan3A_744 = arith.constant 1 : i32
      %scan3A_745 = scf.for %scan3A_949 = %scan3A_741 to %scan3A_743 step %scan3A_744 iter_args(%scan3A_950 = %scan3A_740) -> (i32)  : i32 {
        %broadcast_in_dim3A_951 = vector.broadcast %scan3A_949 : i32 to vector<16xi32>
        %gather3A = tpu.vector_load_idx %arg10[%broadcast_in_dim3A_739, %broadcast_in_dim3A_951] : memref<128x64xf32, #tpu.memory_space<vmem>>[vector<16xi32>, vector<16xi32>], vector<16xf32>,
        %mul3A_952 = arith.constant 32 : i32
        %mul3A_953 = arith.muli %mul3A_952, %scan3A_949 : i32
        %add3A_954 = arith.constant 0 : i32
        %add3A_955 = arith.addi %mul3A_953, %add3A_954 : i32
        %get3A_956 = arith.index_cast %add3A_955 : i32 to index
        %get3A_957 = tpu.vector_load %arg8[%get3A_956] {strides = array<i32>} : memref<2048xi32, #tpu.memory_space<vmem>>, vector<16xi32>,
        %get3A_958 = arith.constant 6 : i32
        %get3A_959 = arith.index_cast %get3A_958 : i32 to index
        %get3A_960 = arith.index_cast %add3A_955 : i32 to index
        %get3A_961 = tpu.vector_load %arg12[%get3A_959, %get3A_960] {strides = array<i32>} : memref<8x2048xf32, #tpu.memory_space<vmem>>, vector<16xf32>,
        %mul3A_962 = arith.mulf %get3A_961, %gather3A : vector<16xf32>
        tpu.vector_store_idx %arg13[%get3A_957], %mul3A_962 {add = true} : memref<64xf32, #tpu.memory_space<vmem>>[vector<16xi32>], vector<16xf32>,
        %mul3A_963 = arith.constant 32 : i32
        %mul3A_964 = arith.muli %mul3A_963, %scan3A_949 : i32
        %add3A_965 = arith.constant 16 : i32
        %add3A_966 = arith.addi %mul3A_964, %add3A_965 : i32
        %get3A_967 = arith.index_cast %add3A_966 : i32 to index
        %get3A_968 = tpu.vector_load %arg8[%get3A_967] {strides = array<i32>} : memref<2048xi32, #tpu.memory_space<vmem>>, vector<16xi32>,
        %get3A_969 = arith.constant 6 : i32
        %get3A_970 = arith.index_cast %get3A_969 : i32 to index
        %get3A_971 = arith.index_cast %add3A_966 : i32 to index
        %get3A_972 = tpu.vector_load %arg12[%get3A_970, %get3A_971] {strides = array<i32>} : memref<8x2048xf32, #tpu.memory_space<vmem>>, vector<16xf32>,
        %mul3A_973 = arith.mulf %get3A_972, %gather3A : vector<16xf32>
        tpu.vector_store_idx %arg13[%get3A_968], %mul3A_973 {add = true} : memref<64xf32, #tpu.memory_space<vmem>>[vector<16xi32>], vector<16xf32>,
        %scan3A_974 = arith.constant 0 : i32
        scf.yield %scan3A_974 : i32
      }
      %scan3A_746 = arith.constant 64 : i32
      %get3A_747 = arith.constant 0 : index
      %get3A_748 = tpu.vector_load %arg13[%get3A_747] {strides = array<i32>} : memref<64xf32, #tpu.memory_space<vmem>>, vector<16xf32>,
      %get3A_749 = arith.constant 16 : index
      %get3A_750 = tpu.vector_load %arg13[%get3A_749] {strides = array<i32>} : memref<64xf32, #tpu.memory_space<vmem>>, vector<16xf32>,
      %get3A_751 = arith.constant 32 : index
      %get3A_752 = tpu.vector_load %arg13[%get3A_751] {strides = array<i32>} : memref<64xf32, #tpu.memory_space<vmem>>, vector<16xf32>,
      %get3A_753 = arith.constant 48 : index
      %get3A_754 = tpu.vector_load %arg13[%get3A_753] {strides = array<i32>} : memref<64xf32, #tpu.memory_space<vmem>>, vector<16xf32>,
      %mul3A_755 = arith.mulf %get3A_748, %div3A_8 : vector<16xf32>
      %mul3A_756 = arith.mulf %get3A_750, %div3A_16 : vector<16xf32>
      %mul3A_757 = arith.mulf %get3A_752, %div3A_24 : vector<16xf32>
      %mul3A_758 = arith.mulf %get3A_754, %div3A_32 : vector<16xf32>
      %get3A_759 = arith.index_cast %add3A_730 : i32 to index
      %get3A_760 = arith.constant 0 : index
      %get3A_761 = tpu.vector_load %arg11[%get3A_759, %get3A_760] {strides = array<i32>} : memref<128x64xf32, #tpu.memory_space<vmem>>, vector<16xf32>,
      %get3A_762 = arith.index_cast %add3A_730 : i32 to index
      %get3A_763 = arith.constant 16 : index
      %get3A_764 = tpu.vector_load %arg11[%get3A_762, %get3A_763] {strides = array<i32>} : memref<128x64xf32, #tpu.memory_space<vmem>>, vector<16xf32>,
      %get3A_765 = arith.index_cast %add3A_730 : i32 to index
      %get3A_766 = arith.constant 32 : index
      %get3A_767 = tpu.vector_load %arg11[%get3A_765, %get3A_766] {strides = array<i32>} : memref<128x64xf32, #tpu.memory_space<vmem>>, vector<16xf32>,
      %get3A_768 = arith.index_cast %add3A_730 : i32 to index
      %get3A_769 = arith.constant 48 : index
      %get3A_770 = tpu.vector_load %arg11[%get3A_768, %get3A_769] {strides = array<i32>} : memref<128x64xf32, #tpu.memory_space<vmem>>, vector<16xf32>,
      %add3A_771 = arith.addf %mul3A_755, %mul3A_756 : vector<16xf32>
      %add3A_772 = arith.addf %mul3A_757, %mul3A_758 : vector<16xf32>
      %add3A_773 = arith.addf %add3A_771, %add3A_772 : vector<16xf32>
      %mul3A_774 = arith.mulf %mul3A_755, %mul3A_755 : vector<16xf32>
      %mul3A_775 = arith.mulf %mul3A_756, %mul3A_756 : vector<16xf32>
      %add3A_776 = arith.addf %mul3A_774, %mul3A_775 : vector<16xf32>
      %mul3A_777 = arith.mulf %mul3A_757, %mul3A_757 : vector<16xf32>
      %mul3A_778 = arith.mulf %mul3A_758, %mul3A_758 : vector<16xf32>
      %add3A_779 = arith.addf %mul3A_777, %mul3A_778 : vector<16xf32>
      %add3A_780 = arith.addf %add3A_776, %add3A_779 : vector<16xf32>
      %max3A_781 = arith.maximumf %mul3A_755, %mul3A_756 : vector<16xf32>
      %max3A_782 = arith.maximumf %mul3A_757, %mul3A_758 : vector<16xf32>
      %max3A_783 = arith.maximumf %max3A_781, %max3A_782 : vector<16xf32>
      %add3A_784 = arith.addf %get3A_748, %get3A_750 : vector<16xf32>
      %add3A_785 = arith.addf %get3A_752, %get3A_754 : vector<16xf32>
      %add3A_786 = arith.addf %add3A_784, %add3A_785 : vector<16xf32>
      %add3A_787 = arith.addf %get3A_761, %get3A_764 : vector<16xf32>
      %add3A_788 = arith.addf %get3A_767, %get3A_770 : vector<16xf32>
      %add3A_789 = arith.addf %add3A_787, %add3A_788 : vector<16xf32>
      %mul3A_790 = arith.mulf %get3A_748, %get3A_761 : vector<16xf32>
      %mul3A_791 = arith.mulf %get3A_750, %get3A_764 : vector<16xf32>
      %add3A_792 = arith.addf %mul3A_790, %mul3A_791 : vector<16xf32>
      %mul3A_793 = arith.mulf %get3A_752, %get3A_767 : vector<16xf32>
      %mul3A_794 = arith.mulf %get3A_754, %get3A_770 : vector<16xf32>
      %add3A_795 = arith.addf %mul3A_793, %mul3A_794 : vector<16xf32>
      %add3A_796 = arith.addf %add3A_792, %add3A_795 : vector<16xf32>
      %reduce_sum3A_797 = arith.constant true
      %reduce_sum3A_798 = vector.broadcast %reduce_sum3A_797 : i1 to vector<16xi1>
      %reduce_sum3A_799 = tpu.scan <sum>, %add3A_773 masked %reduce_sum3A_798 : vector<16xf32>, vector<16xi1> -> vector<16xf32>
      %reduce_sum3A_800 = vector.extract %reduce_sum3A_799[15] : f32 from vector<16xf32>
      %reduce_sum3A_801 = arith.constant true
      %reduce_sum3A_802 = vector.broadcast %reduce_sum3A_801 : i1 to vector<16xi1>
      %reduce_sum3A_803 = tpu.scan <sum>, %add3A_780 masked %reduce_sum3A_802 : vector<16xf32>, vector<16xi1> -> vector<16xf32>
      %reduce_sum3A_804 = vector.extract %reduce_sum3A_803[15] : f32 from vector<16xf32>
      %reduce_max3A_805 = arith.constant true
      %reduce_max3A_806 = vector.broadcast %reduce_max3A_805 : i1 to vector<16xi1>
      %reduce_max3A_807 = tpu.scan <max>, %max3A_783 masked %reduce_max3A_806 : vector<16xf32>, vector<16xi1> -> vector<16xf32>
      %reduce_max3A_808 = vector.extract %reduce_max3A_807[15] : f32 from vector<16xf32>
      %reduce_sum3A_809 = arith.constant true
      %reduce_sum3A_810 = vector.broadcast %reduce_sum3A_809 : i1 to vector<16xi1>
      %reduce_sum3A_811 = tpu.scan <sum>, %add3A_786 masked %reduce_sum3A_810 : vector<16xf32>, vector<16xi1> -> vector<16xf32>
      %reduce_sum3A_812 = vector.extract %reduce_sum3A_811[15] : f32 from vector<16xf32>
      %reduce_sum3A_813 = arith.constant true
      %reduce_sum3A_814 = vector.broadcast %reduce_sum3A_813 : i1 to vector<16xi1>
      %reduce_sum3A_815 = tpu.scan <sum>, %add3A_789 masked %reduce_sum3A_814 : vector<16xf32>, vector<16xi1> -> vector<16xf32>
      %reduce_sum3A_816 = vector.extract %reduce_sum3A_815[15] : f32 from vector<16xf32>
      %reduce_sum3A_817 = arith.constant true
      %reduce_sum3A_818 = vector.broadcast %reduce_sum3A_817 : i1 to vector<16xi1>
      %reduce_sum3A_819 = tpu.scan <sum>, %add3A_796 masked %reduce_sum3A_818 : vector<16xf32>, vector<16xi1> -> vector<16xf32>
      %reduce_sum3A_820 = vector.extract %reduce_sum3A_819[15] : f32 from vector<16xf32>
      %mul3A_821 = arith.mulf %reduce_sum3A_800, %reduce_sum3A_800 : f32
      %mul3A_822 = arith.constant 1.562500e-02 : f32
      %mul3A_823 = arith.mulf %mul3A_821, %mul3A_822 : f32
      %sub3A_824 = arith.subf %reduce_sum3A_804, %mul3A_823 : f32
      %mul3A_825 = arith.constant 0.0158730168 : f32
      %mul3A_826 = arith.mulf %sub3A_824, %mul3A_825 : f32
      %add3A_827 = arith.addf %add3A_716, %mul3A_826 : f32
      %add3A_828 = arith.addf %add3A_717, %reduce_max3A_808 : f32
      %add3A_829 = arith.constant 9.99999993E-9 : f32
      %add3A_830 = arith.addf %reduce_sum3A_812, %add3A_829 : f32
      %add3A_831 = arith.constant 9.99999993E-9 : f32
      %add3A_832 = arith.addf %reduce_sum3A_816, %add3A_831 : f32
      %mul3A_833 = arith.mulf %add3A_830, %add3A_832 : f32
      %broadcast_in_dim3A_834 = vector.broadcast %reduce_sum3A_820 : f32 to vector<16xf32>
      %broadcast_in_dim3A_835 = vector.broadcast %mul3A_833 : f32 to vector<16xf32>
      %div3A_836 = arith.divf %broadcast_in_dim3A_834, %broadcast_in_dim3A_835 : vector<16xf32>
      %add3A_837 = arith.addf %add3A_726, %div3A_836 : vector<16xf32>
      %mul3A_838 = arith.constant 8 : i32
      %mul3A_839 = arith.muli %scan3A_58, %mul3A_838 : i32
      %add3A_840 = arith.constant 7 : i32
      %add3A_841 = arith.addi %mul3A_839, %add3A_840 : i32
      %swap3A_842 = arith.constant 0 : index
      %swap3A_843 = tpu.vector_load %arg13[%swap3A_842] {strides = array<i32>} : memref<64xf32, #tpu.memory_space<vmem>>, vector<16xf32>,
      tpu.vector_store %arg13[%swap3A_842], %broadcast_in_dim3A_33 {strides = array<i32>} : memref<64xf32, #tpu.memory_space<vmem>>, vector<16xf32>,
      %swap3A_844 = arith.constant 16 : index
      %swap3A_845 = tpu.vector_load %arg13[%swap3A_844] {strides = array<i32>} : memref<64xf32, #tpu.memory_space<vmem>>, vector<16xf32>,
      tpu.vector_store %arg13[%swap3A_844], %broadcast_in_dim3A_33 {strides = array<i32>} : memref<64xf32, #tpu.memory_space<vmem>>, vector<16xf32>,
      %swap3A_846 = arith.constant 32 : index
      %swap3A_847 = tpu.vector_load %arg13[%swap3A_846] {strides = array<i32>} : memref<64xf32, #tpu.memory_space<vmem>>, vector<16xf32>,
      tpu.vector_store %arg13[%swap3A_846], %broadcast_in_dim3A_33 {strides = array<i32>} : memref<64xf32, #tpu.memory_space<vmem>>, vector<16xf32>,
      %swap3A_848 = arith.constant 48 : index
      %swap3A_849 = tpu.vector_load %arg13[%swap3A_848] {strides = array<i32>} : memref<64xf32, #tpu.memory_space<vmem>>, vector<16xf32>,
      tpu.vector_store %arg13[%swap3A_848], %broadcast_in_dim3A_33 {strides = array<i32>} : memref<64xf32, #tpu.memory_space<vmem>>, vector<16xf32>,
      %broadcast_in_dim3A_850 = vector.broadcast %add3A_841 : i32 to vector<16xi32>
      %scan3A_851 = arith.constant 0 : i32
      %scan3A_852 = arith.constant 0 : i32
      %scan3A_853 = arith.constant 64 : i32
      %scan3A_854 = arith.addi %scan3A_852, %scan3A_853 : i32
      %scan3A_855 = arith.constant 1 : i32
      %scan3A_856 = scf.for %scan3A_949 = %scan3A_852 to %scan3A_854 step %scan3A_855 iter_args(%scan3A_950 = %scan3A_851) -> (i32)  : i32 {
        %broadcast_in_dim3A_951 = vector.broadcast %scan3A_949 : i32 to vector<16xi32>
        %gather3A = tpu.vector_load_idx %arg10[%broadcast_in_dim3A_850, %broadcast_in_dim3A_951] : memref<128x64xf32, #tpu.memory_space<vmem>>[vector<16xi32>, vector<16xi32>], vector<16xf32>,
        %mul3A_952 = arith.constant 32 : i32
        %mul3A_953 = arith.muli %mul3A_952, %scan3A_949 : i32
        %add3A_954 = arith.constant 0 : i32
        %add3A_955 = arith.addi %mul3A_953, %add3A_954 : i32
        %get3A_956 = arith.index_cast %add3A_955 : i32 to index
        %get3A_957 = tpu.vector_load %arg8[%get3A_956] {strides = array<i32>} : memref<2048xi32, #tpu.memory_space<vmem>>, vector<16xi32>,
        %get3A_958 = arith.constant 7 : i32
        %get3A_959 = arith.index_cast %get3A_958 : i32 to index
        %get3A_960 = arith.index_cast %add3A_955 : i32 to index
        %get3A_961 = tpu.vector_load %arg12[%get3A_959, %get3A_960] {strides = array<i32>} : memref<8x2048xf32, #tpu.memory_space<vmem>>, vector<16xf32>,
        %mul3A_962 = arith.mulf %get3A_961, %gather3A : vector<16xf32>
        tpu.vector_store_idx %arg13[%get3A_957], %mul3A_962 {add = true} : memref<64xf32, #tpu.memory_space<vmem>>[vector<16xi32>], vector<16xf32>,
        %mul3A_963 = arith.constant 32 : i32
        %mul3A_964 = arith.muli %mul3A_963, %scan3A_949 : i32
        %add3A_965 = arith.constant 16 : i32
        %add3A_966 = arith.addi %mul3A_964, %add3A_965 : i32
        %get3A_967 = arith.index_cast %add3A_966 : i32 to index
        %get3A_968 = tpu.vector_load %arg8[%get3A_967] {strides = array<i32>} : memref<2048xi32, #tpu.memory_space<vmem>>, vector<16xi32>,
        %get3A_969 = arith.constant 7 : i32
        %get3A_970 = arith.index_cast %get3A_969 : i32 to index
        %get3A_971 = arith.index_cast %add3A_966 : i32 to index
        %get3A_972 = tpu.vector_load %arg12[%get3A_970, %get3A_971] {strides = array<i32>} : memref<8x2048xf32, #tpu.memory_space<vmem>>, vector<16xf32>,
        %mul3A_973 = arith.mulf %get3A_972, %gather3A : vector<16xf32>
        tpu.vector_store_idx %arg13[%get3A_968], %mul3A_973 {add = true} : memref<64xf32, #tpu.memory_space<vmem>>[vector<16xi32>], vector<16xf32>,
        %scan3A_974 = arith.constant 0 : i32
        scf.yield %scan3A_974 : i32
      }
      %scan3A_857 = arith.constant 64 : i32
      %get3A_858 = arith.constant 0 : index
      %get3A_859 = tpu.vector_load %arg13[%get3A_858] {strides = array<i32>} : memref<64xf32, #tpu.memory_space<vmem>>, vector<16xf32>,
      %get3A_860 = arith.constant 16 : index
      %get3A_861 = tpu.vector_load %arg13[%get3A_860] {strides = array<i32>} : memref<64xf32, #tpu.memory_space<vmem>>, vector<16xf32>,
      %get3A_862 = arith.constant 32 : index
      %get3A_863 = tpu.vector_load %arg13[%get3A_862] {strides = array<i32>} : memref<64xf32, #tpu.memory_space<vmem>>, vector<16xf32>,
      %get3A_864 = arith.constant 48 : index
      %get3A_865 = tpu.vector_load %arg13[%get3A_864] {strides = array<i32>} : memref<64xf32, #tpu.memory_space<vmem>>, vector<16xf32>,
      %mul3A_866 = arith.mulf %get3A_859, %div3A_8 : vector<16xf32>
      %mul3A_867 = arith.mulf %get3A_861, %div3A_16 : vector<16xf32>
      %mul3A_868 = arith.mulf %get3A_863, %div3A_24 : vector<16xf32>
      %mul3A_869 = arith.mulf %get3A_865, %div3A_32 : vector<16xf32>
      %get3A_870 = arith.index_cast %add3A_841 : i32 to index
      %get3A_871 = arith.constant 0 : index
      %get3A_872 = tpu.vector_load %arg11[%get3A_870, %get3A_871] {strides = array<i32>} : memref<128x64xf32, #tpu.memory_space<vmem>>, vector<16xf32>,
      %get3A_873 = arith.index_cast %add3A_841 : i32 to index
      %get3A_874 = arith.constant 16 : index
      %get3A_875 = tpu.vector_load %arg11[%get3A_873, %get3A_874] {strides = array<i32>} : memref<128x64xf32, #tpu.memory_space<vmem>>, vector<16xf32>,
      %get3A_876 = arith.index_cast %add3A_841 : i32 to index
      %get3A_877 = arith.constant 32 : index
      %get3A_878 = tpu.vector_load %arg11[%get3A_876, %get3A_877] {strides = array<i32>} : memref<128x64xf32, #tpu.memory_space<vmem>>, vector<16xf32>,
      %get3A_879 = arith.index_cast %add3A_841 : i32 to index
      %get3A_880 = arith.constant 48 : index
      %get3A_881 = tpu.vector_load %arg11[%get3A_879, %get3A_880] {strides = array<i32>} : memref<128x64xf32, #tpu.memory_space<vmem>>, vector<16xf32>,
      %add3A_882 = arith.addf %mul3A_866, %mul3A_867 : vector<16xf32>
      %add3A_883 = arith.addf %mul3A_868, %mul3A_869 : vector<16xf32>
      %add3A_884 = arith.addf %add3A_882, %add3A_883 : vector<16xf32>
      %mul3A_885 = arith.mulf %mul3A_866, %mul3A_866 : vector<16xf32>
      %mul3A_886 = arith.mulf %mul3A_867, %mul3A_867 : vector<16xf32>
      %add3A_887 = arith.addf %mul3A_885, %mul3A_886 : vector<16xf32>
      %mul3A_888 = arith.mulf %mul3A_868, %mul3A_868 : vector<16xf32>
      %mul3A_889 = arith.mulf %mul3A_869, %mul3A_869 : vector<16xf32>
      %add3A_890 = arith.addf %mul3A_888, %mul3A_889 : vector<16xf32>
      %add3A_891 = arith.addf %add3A_887, %add3A_890 : vector<16xf32>
      %max3A_892 = arith.maximumf %mul3A_866, %mul3A_867 : vector<16xf32>
      %max3A_893 = arith.maximumf %mul3A_868, %mul3A_869 : vector<16xf32>
      %max3A_894 = arith.maximumf %max3A_892, %max3A_893 : vector<16xf32>
      %add3A_895 = arith.addf %get3A_859, %get3A_861 : vector<16xf32>
      %add3A_896 = arith.addf %get3A_863, %get3A_865 : vector<16xf32>
      %add3A_897 = arith.addf %add3A_895, %add3A_896 : vector<16xf32>
      %add3A_898 = arith.addf %get3A_872, %get3A_875 : vector<16xf32>
      %add3A_899 = arith.addf %get3A_878, %get3A_881 : vector<16xf32>
      %add3A_900 = arith.addf %add3A_898, %add3A_899 : vector<16xf32>
      %mul3A_901 = arith.mulf %get3A_859, %get3A_872 : vector<16xf32>
      %mul3A_902 = arith.mulf %get3A_861, %get3A_875 : vector<16xf32>
      %add3A_903 = arith.addf %mul3A_901, %mul3A_902 : vector<16xf32>
      %mul3A_904 = arith.mulf %get3A_863, %get3A_878 : vector<16xf32>
      %mul3A_905 = arith.mulf %get3A_865, %get3A_881 : vector<16xf32>
      %add3A_906 = arith.addf %mul3A_904, %mul3A_905 : vector<16xf32>
      %add3A_907 = arith.addf %add3A_903, %add3A_906 : vector<16xf32>
      %reduce_sum3A_908 = arith.constant true
      %reduce_sum3A_909 = vector.broadcast %reduce_sum3A_908 : i1 to vector<16xi1>
      %reduce_sum3A_910 = tpu.scan <sum>, %add3A_884 masked %reduce_sum3A_909 : vector<16xf32>, vector<16xi1> -> vector<16xf32>
      %reduce_sum3A_911 = vector.extract %reduce_sum3A_910[15] : f32 from vector<16xf32>
      %reduce_sum3A_912 = arith.constant true
      %reduce_sum3A_913 = vector.broadcast %reduce_sum3A_912 : i1 to vector<16xi1>
      %reduce_sum3A_914 = tpu.scan <sum>, %add3A_891 masked %reduce_sum3A_913 : vector<16xf32>, vector<16xi1> -> vector<16xf32>
      %reduce_sum3A_915 = vector.extract %reduce_sum3A_914[15] : f32 from vector<16xf32>
      %reduce_max3A_916 = arith.constant true
      %reduce_max3A_917 = vector.broadcast %reduce_max3A_916 : i1 to vector<16xi1>
      %reduce_max3A_918 = tpu.scan <max>, %max3A_894 masked %reduce_max3A_917 : vector<16xf32>, vector<16xi1> -> vector<16xf32>
      %reduce_max3A_919 = vector.extract %reduce_max3A_918[15] : f32 from vector<16xf32>
      %reduce_sum3A_920 = arith.constant true
      %reduce_sum3A_921 = vector.broadcast %reduce_sum3A_920 : i1 to vector<16xi1>
      %reduce_sum3A_922 = tpu.scan <sum>, %add3A_897 masked %reduce_sum3A_921 : vector<16xf32>, vector<16xi1> -> vector<16xf32>
      %reduce_sum3A_923 = vector.extract %reduce_sum3A_922[15] : f32 from vector<16xf32>
      %reduce_sum3A_924 = arith.constant true
      %reduce_sum3A_925 = vector.broadcast %reduce_sum3A_924 : i1 to vector<16xi1>
      %reduce_sum3A_926 = tpu.scan <sum>, %add3A_900 masked %reduce_sum3A_925 : vector<16xf32>, vector<16xi1> -> vector<16xf32>
      %reduce_sum3A_927 = vector.extract %reduce_sum3A_926[15] : f32 from vector<16xf32>
      %reduce_sum3A_928 = arith.constant true
      %reduce_sum3A_929 = vector.broadcast %reduce_sum3A_928 : i1 to vector<16xi1>
      %reduce_sum3A_930 = tpu.scan <sum>, %add3A_907 masked %reduce_sum3A_929 : vector<16xf32>, vector<16xi1> -> vector<16xf32>
      %reduce_sum3A_931 = vector.extract %reduce_sum3A_930[15] : f32 from vector<16xf32>
      %mul3A_932 = arith.mulf %reduce_sum3A_911, %reduce_sum3A_911 : f32
      %mul3A_933 = arith.constant 1.562500e-02 : f32
      %mul3A_934 = arith.mulf %mul3A_932, %mul3A_933 : f32
      %sub3A_935 = arith.subf %reduce_sum3A_915, %mul3A_934 : f32
      %mul3A_936 = arith.constant 0.0158730168 : f32
      %mul3A_937 = arith.mulf %sub3A_935, %mul3A_936 : f32
      %add3A_938 = arith.addf %add3A_827, %mul3A_937 : f32
      %add3A_939 = arith.addf %add3A_828, %reduce_max3A_919 : f32
      %add3A_940 = arith.constant 9.99999993E-9 : f32
      %add3A_941 = arith.addf %reduce_sum3A_923, %add3A_940 : f32
      %add3A_942 = arith.constant 9.99999993E-9 : f32
      %add3A_943 = arith.addf %reduce_sum3A_927, %add3A_942 : f32
      %mul3A_944 = arith.mulf %add3A_941, %add3A_943 : f32
      %broadcast_in_dim3A_945 = vector.broadcast %reduce_sum3A_931 : f32 to vector<16xf32>
      %broadcast_in_dim3A_946 = vector.broadcast %mul3A_944 : f32 to vector<16xf32>
      %div3A_947 = arith.divf %broadcast_in_dim3A_945, %broadcast_in_dim3A_946 : vector<16xf32>
      %add3A_948 = arith.addf %add3A_837, %div3A_947 : vector<16xf32>
      scf.yield %add3A_938, %add3A_939, %add3A_948 : f32, f32, vector<16xf32>
    }
    %scan3A_42 = arith.constant 16 : i32
    %iota3A = tpu.iota {dimensions = array<i32: 0>} : vector<16xi32>
    %eq3A = arith.constant 0 : i32
    %eq3A_43 = vector.broadcast %eq3A : i32 to vector<16xi32>
    %eq3A_44 = arith.cmpi eq, %iota3A, %eq3A_43 : vector<16xi32>
    %broadcast_in_dim3A_45 = vector.broadcast %scan3A_41#0 : f32 to vector<16xf32>
    %eq3A_46 = arith.constant 1 : i32
    %eq3A_47 = vector.broadcast %eq3A_46 : i32 to vector<16xi32>
    %eq3A_48 = arith.cmpi eq, %iota3A, %eq3A_47 : vector<16xi32>
    %broadcast_in_dim3A_49 = vector.broadcast %scan3A_41#1 : f32 to vector<16xf32>
    %eq3A_50 = arith.constant 2 : i32
    %eq3A_51 = vector.broadcast %eq3A_50 : i32 to vector<16xi32>
    %eq3A_52 = arith.cmpi eq, %iota3A, %eq3A_51 : vector<16xi32>
    %broadcast_in_dim3A_53 = arith.constant 0.000000e+00 : f32
    %broadcast_in_dim3A_54 = vector.broadcast %broadcast_in_dim3A_53 : f32 to vector<16xf32>
    %select_n3A = arith.select %eq3A_52, %scan3A_41#2, %broadcast_in_dim3A_54 : vector<16xi1>, vector<16xf32>
    %select_n3A_55 = arith.select %eq3A_48, %broadcast_in_dim3A_49, %select_n3A : vector<16xi1>, vector<16xf32>
    %select_n3A_56 = arith.select %eq3A_44, %broadcast_in_dim3A_45, %select_n3A_55 : vector<16xi1>, vector<16xf32>
    %swap3A = arith.constant 0 : index
    %swap3A_57 = tpu.vector_load %arg14[%swap3A] {strides = array<i32>} : memref<16xf32, #tpu.memory_space<vmem>>, vector<16xf32>,
    tpu.vector_store %arg14[%swap3A], %select_n3A_56 {strides = array<i32>} : memref<16xf32, #tpu.memory_space<vmem>>, vector<16xf32>,
    "tpu.region"() ({
      %run_scoped3A = tpu.sem_alloc : memref<!tpu.dma_semaphore, #tpu.memory_space<semaphore_mem>>
      %dma_start3A = arith.constant 0 : i32
      %dma_start3A_58 = tpu.memref_slice %arg7[%add3A, %dma_start3A] : memref<32x16xf32, #tpu.memory_space<hbm>> -> memref<1x16xf32, #tpu.memory_space<hbm>>
      %dma_start3A_59 = tpu.memref_squeeze %dma_start3A_58 : memref<1x16xf32, #tpu.memory_space<hbm>> -> memref<16xf32, #tpu.memory_space<hbm>>
      %dma_start3A_60 = arith.constant 0 : i32
      %dma_start3A_61 = tpu.memref_slice %arg7[%add3A, %dma_start3A_60] : memref<32x16xf32, #tpu.memory_space<hbm>> -> memref<1x16xf32, #tpu.memory_space<hbm>>
      %dma_start3A_62 = tpu.memref_squeeze %dma_start3A_61 : memref<1x16xf32, #tpu.memory_space<hbm>> -> memref<16xf32, #tpu.memory_space<hbm>>
      tpu.enqueue_dma source(%arg14 : memref<16xf32, #tpu.memory_space<vmem>>) target(%dma_start3A_62 : memref<16xf32, #tpu.memory_space<hbm>>) target_semaphore(%run_scoped3A : memref<!tpu.dma_semaphore, #tpu.memory_space<semaphore_mem>>)
      %dma_wait3A = arith.constant 0 : i32
      %dma_wait3A_63 = tpu.memref_slice %arg7[%add3A, %dma_wait3A] : memref<32x16xf32, #tpu.memory_space<hbm>> -> memref<1x16xf32, #tpu.memory_space<hbm>>
      %dma_wait3A_64 = tpu.memref_squeeze %dma_wait3A_63 : memref<1x16xf32, #tpu.memory_space<hbm>> -> memref<16xf32, #tpu.memory_space<hbm>>
      %dma_wait3A_65 = arith.constant 0 : i32
      %dma_wait3A_66 = tpu.memref_slice %arg7[%add3A, %dma_wait3A_65] : memref<32x16xf32, #tpu.memory_space<hbm>> -> memref<1x16xf32, #tpu.memory_space<hbm>>
      %dma_wait3A_67 = tpu.memref_squeeze %dma_wait3A_66 : memref<1x16xf32, #tpu.memory_space<hbm>> -> memref<16xf32, #tpu.memory_space<hbm>>
      tpu.wait_dma2 semaphore(%run_scoped3A : memref<!tpu.dma_semaphore, #tpu.memory_space<semaphore_mem>>) src(%arg14 : memref<16xf32, #tpu.memory_space<vmem>>) dst(%dma_wait3A_67 : memref<16xf32, #tpu.memory_space<hbm>>)
      tpu.yield
    }) : () -> ()
    return
  }
}

</mosaic_0001>

<sc_bundles>
// kernel: _sc_loss.3.cloned.1.call-start
scs
__scs_entry_jumppad:
0x0: {  	(pc) =	sbr.rel $0x88, $3  }
0x1: {  	(tag) =	ssettag $0x0;
	lr =	simm.s32 $0x1  }
0x2: {  	[smem:$0x3F9C] =	sst lr;
	_ =	strace $0xD0000000  }
0x3: {  	_ = 	snop  }
0x4: {  	_ = 	snop  }
0x5: {  	_ = 	snop  }
0x6: {  	_ = 	snop  }
0x7: {  	_ = 	snop  }
__scs_overlays_trampoline_lowered:
0x8: {  	[smem:$0x3FAB] =	sst s0  }
0x9: {  	[smem:$0x3FAC] =	sst s1  }
0xa: {  	[smem:$0x3FAD] =	sst s2  }
0xb: {  	[smem:$0x3FAE] =	sst s3  }
0xc: {  	[smem:$0x3FAF] =	sst s4  }
0xd: {  	[smem:$0x3FB0] =	sst s5  }
0xe: {  	[smem:$0x3FB1] =	sst s6  }
0xf: {  	[smem:$0x3FB2] =	sst s7  }
0x10: {  	[smem:$0x3FB3] =	sst s8  }
0x11: {  	[smem:$0x3FB4] =	sst s9;
	s0 =	simm.s32 @!p0 $0x0  }
0x12: {  	s1 =	sld [smem:$0x3F9A];
	s0 =	simm.s32 @p0 $0x1  }
0x13: {  	[smem:$0x3FB5] =	sst s0;
	s0 =	simm.s32 @!p1 $0x0  }
0x14: {  	s2 =	sld [smem:$0x3F99];
	s0 =	simm.s32 @p1 $0x1  }
0x15: {  	[smem:$0x3FB6] =	sst s0;
	s0 =	simm.s32 @!p2 $0x0  }
0x16: {  	s3 =	sld [smem:$0x3FDB];
	s0 =	simm.s32 @p2 $0x1  }
0x17: {  	s4 =	simm.s32 $0x1BF5;
	[smem:$0x3FB8] =	sst s0  }
0x18: {  	s0 =	sld [smem:$0x3F9B];
	_ =	swait.ge [sflag:s4], $0x0  }
0x19: {  	s7 =	sld [smem:$0x3F9C]  }
0x1a: {  	s8 =	sadd.s32 $0xFFFFE003, lr  }
0x1b: {  	s9 =	sadd.s32 $0xFFFFFEF7, lr;
	s5 =	simm.s32 $0xFFFFFFFF;
	p2 =	slt.u32 s8, $0xFFFFF086  }
0x1c: {  	p1 =	slt.u32 s9, $0xF7A;
	s5 =	simm.s32 @!p2 $0x0  }
0x1d: {  	s5 =	simm.s32 @p1 $0x1;
	p0 =	seq.s32 s7, s2  }
0x1e: {  	s7 =	smul.u32 @!p0 $0xF7A, s2;
	p2 =	seq.s32 @!p0 s5, $0x0  }
0x1f: {  	s9 =	smul.u32 $0xF7A, s1;
	s8 =	simm.s32 @!p0 $0x1BF5;
	p2 =	por !p2, p0  }
0x20: {  	[sflag:s8] =	ssyncset.s32 @!p0 $0xFFFFF086;
	s6 =	sadd.s32 @!p0 s3, s7;
	s7 =	simm.s32 @!p0 $0x108  }
0x21: {  	s3 =	sadd.s32 s3, s9;
	s6 =	sadd.s32 @!p0 $0x88, s6;
	s7 =	simm.s32 @p2 $0x1082  }
0x22: {  	[simem:s7], [sflag:s8] =	dma.local @!p0 [hbm:s6], $0xF7A  }
0x23: {  	s9 =	sor.u32 $0xD0000000, s2;
	s6 =	simm.s32 $0x108;
	_ =	swait.ge @!p0 [sflag:s8], $0x0  }
0x24: {  	s3 =	sadd.s32 $0x88, s3;
	s6 =	simm.s32 @!p1 $0x1082;
	[sflag:s4] =	ssyncset.s32 $0xFFFFF086  }
0x25: {  	[simem:s6], [sflag:s4] =	dma.local [hbm:s3], $0xF7A  }
0x26: {  	[smem:$0x3F9C] =	sst s1;
	(tag) =	ssettag s2;
	_ =	strace s9  }
0x27: {  	s1 =	sld [smem:$0x3FAC]  }
0x28: {  	s2 =	sld [smem:$0x3FAD]  }
0x29: {  	s4 =	sld [smem:$0x3FAF]  }
0x2a: {  	p0 =	seq.s32 s5, $0x0;
	s5 =	sld [smem:$0x3FB0]  }
0x2b: {  	s6 =	sld [smem:$0x3FB1]  }
0x2c: {  	s7 =	sld [smem:$0x3FB2]  }
0x2d: {  	s3 =	simm.s32 $0x108;
	s8 =	sld [smem:$0x3FB3]  }
0x2e: {  	s3 =	simm.s32 @!p0 $0x1082;
	s9 =	sld [smem:$0x3FB4]  }
0x2f: {  	lr =	sadd.s32 s0, s3;
	s0 =	sld [smem:$0x3FAB]  }
0x30: {  	s3 =	sld [smem:$0x3FAE]  }
0x31: {  	[smem:$0x3FB7] =	sst s10  }
0x32: {  	s10 =	sld [smem:$0x3FB5];
	_ =	sdelay $0x3  }
0x33: {  	p0 =	seq.s32 s10, $0x1;
	s10 =	sld [smem:$0x3FB7];
	_ =	sdelay $0x3  }
0x34: {  	[smem:$0x3FB7] =	sst s10  }
0x35: {  	s10 =	sld [smem:$0x3FB6];
	_ =	sdelay $0x3  }
0x36: {  	p1 =	seq.s32 s10, $0x1;
	s10 =	sld [smem:$0x3FB7];
	_ =	sdelay $0x3  }
0x37: {  	[smem:$0x3FB7] =	sst s10  }
0x38: {  	s10 =	sld [smem:$0x3FB8]  }
0x39: {  	_ = 	snop;
	(pc) =	sbr.ind lr, $3  }
0x3a: {  	_ = 	snop  }
0x3b: {  	_ = 	snop  }
0x3c: {  	p2 =	seq.s32 s10, $0x1;
	s10 =	sld [smem:$0x3FB7]  }
0x3d: {  	_ =	shalt  }
0x3e: {  	_ =	shalt  }
0x3f: {  	_ =	shalt  }
0x40: {  	_ =	shalt  }
0x41: {  	_ =	shalt  }
0x42: {  	_ =	shalt  }
0x43: {  	_ =	shalt  }
0x44: {  	_ =	shalt  }
0x45: {  	_ =	shalt  }
0x46: {  	_ =	shalt  }
0x47: {  	_ =	shalt  }
0x48: {  	_ =	shalt  }
0x49: {  	_ =	shalt  }
0x4a: {  	_ =	shalt  }
0x4b: {  	_ =	shalt  }
0x4c: {  	_ =	shalt  }
0x4d: {  	_ =	shalt  }
0x4e: {  	_ =	shalt  }
0x4f: {  	_ =	shalt  }
0x50: {  	_ =	shalt  }
0x51: {  	_ =	shalt  }
0x52: {  	_ =	shalt  }
0x53: {  	_ =	shalt  }
0x54: {  	_ =	shalt  }
0x55: {  	_ =	shalt  }
0x56: {  	_ =	shalt  }
0x57: {  	_ =	shalt  }
0x58: {  	_ =	shalt  }
0x59: {  	_ =	shalt  }
0x5a: {  	_ =	shalt  }
0x5b: {  	_ =	shalt  }
0x5c: {  	_ =	shalt  }
0x5d: {  	_ =	shalt  }
0x5e: {  	_ =	shalt  }
0x5f: {  	_ =	shalt  }
0x60: {  	_ =	shalt  }
0x61: {  	_ =	shalt  }
0x62: {  	_ =	shalt  }
0x63: {  	_ =	shalt  }
0x64: {  	_ =	shalt  }
0x65: {  	_ =	shalt  }
0x66: {  	_ =	shalt  }
0x67: {  	_ =	shalt  }
0x68: {  	_ =	shalt  }
0x69: {  	_ =	shalt  }
0x6a: {  	_ =	shalt  }
0x6b: {  	_ =	shalt  }
0x6c: {  	_ =	shalt  }
0x6d: {  	_ =	shalt  }
0x6e: {  	_ =	shalt  }
0x6f: {  	_ =	shalt  }
0x70: {  	_ =	shalt  }
0x71: {  	_ =	shalt  }
0x72: {  	_ =	shalt  }
0x73: {  	_ =	shalt  }
0x74: {  	_ =	shalt  }
0x75: {  	_ =	shalt  }
0x76: {  	_ =	shalt  }
0x77: {  	_ =	shalt  }
0x78: {  	_ =	shalt  }
0x79: {  	_ =	shalt  }
0x7a: {  	_ =	shalt  }
0x7b: {  	_ =	shalt  }
0x7c: {  	_ =	shalt  }
0x7d: {  	_ =	shalt  }
0x7e: {  	_ =	shalt  }
0x7f: {  	_ =	shalt  }
0x80: {  	_ =	shalt  }
0x81: {  	_ =	shalt  }
0x82: {  	_ =	shalt  }
0x83: {  	_ =	shalt  }
0x84: {  	_ =	shalt  }
0x85: {  	_ =	shalt  }
0x86: {  	_ =	shalt  }
0x87: {  	_ =	shalt  }
.Lfunc_end0:
.L_simem_size_0:
called_computation_lowered:
.L_overlay_start_0:
0x88: {  	s2 =	sld [smem:$0x3FD9]  }
0x89: {  	s3 =	sld [smem:$0x3FFE];
	_ =	sdelay $0x1  }
0x8a: {  	s1 =	srdreg.scid  }
0x8b: {  	s0 =	sand.u32 $0x1, s1  }
0x8c: {  	s17 =	sshll.u32 s0, $0xA;
	s2 =	sadd.s32 s3, s2  }
0x8d: {  	s2 =	sadd.s32 s2, s17  }
0x8e: {  	[smem:$0x3FC3] =	sst s2  }
0x8f: {  	_ = 	snop  }
0x90: {  	s2 =	sld [smem:$0x3FC9]  }
0x91: {  	s18 =	sld [smem:$0x3FC6]  }
0x92: {  	s4 =	sld [smem:$0x3FC5];
	(tm) =	ssettm $0x1  }
0x93: {  	s5 =	sld [smem:$0x3FFB];
	_ =	sdelay $0x3  }
0x94: {  	_ =	strace s5  }
0x95: {  	s5 =	sld [smem:$0x3FFC];
	_ =	sdelay $0x3  }
0x96: {  	_ =	strace s5  }
0x97: {  	s5 =	sld [smem:$0x3FFD];
	_ =	sdelay $0x3  }
0x98: {  	_ =	strace s5  }
0x99: {  	_ =	strace $0x8FFFFFFF  }
0x9a: {  	s19 =	sld [smem:$0x3FDB];
	_ =	sdelay $0x1  }
0x9b: {  	s6 =	simm.s32 $_scs_section_size  }
0x9c: {  	s7 =	simm.s32 $_size__tile_overlayer_lowered;
	s8 =	simm.s32 $_tile_overlayer_lowered  }
0x9d: {  	s22 =	simm.s32 $0x1BFF;
	s21 =	sshll.u32 s8, $0x1;
	s5 =	sadd.s32 s6, s19  }
0x9e: {  	s9 =	simm.s32 $0x0;
	s20 =	sshll.u32 s7, $0x1;
	s7 =	sadd.s32 s21, s5  }
0x9f: {  	[timem:s9], [sflag:s22] =	dma.local [hbm:s7], s20  }
0xa0: {  	_ =	swait.ge [sflag:s22], s20  }
0xa1: {  	s6 =	ssub.s32 $0x0, s20;
	[sflag:s22] =	ssyncset.done $0x0  }
0xa2: {  	[sflag:s22] =	ssyncadd.s32 s6;
	_ =	sdelay $0x1  }
0xa3: {  	s23 =	simm.s32 $0x1B8B  }
0xa4: {  	_ =	swait.ge [sflag:s23], $0x1  }
0xa5: {  	[sflag:s23] =	ssyncset.done $0x0  }
0xa6: {  	s25 =	simm.s32 $0x1B8E;
	s24 =	sld [smem:$0x3FFE];
	[sflag:s23] =	ssyncadd.s32 $0xFFFFFFFF  }
0xa7: {  	s26 =	simm.s32 $execute0_lowered;
	[smem:$0x3FD2] =	sst s25  }
0xa8: {  	s7 =	sshll.u32 s26, $0x1;
	_ =	strace $0x80000046;
	[dreg:$0x1] =	wrdreg $0xFFFFFFFF  }
0xa9: {  	s28 =	simm.s32 $_size_execute0_lowered;
	s5 =	sadd.s32 s5, s7;
	[dreg:$0x0] =	wrdreg $0x0  }
0xaa: {  	s7 =	sshll.u32 s28, $0x1;
	[dreg:$0x2] =	wrdreg s5  }
0xab: {  	[dreg:$0x3] =	wrdreg s7  }
0xac: {  	[dreg:$0x4] =	wrdreg $0xC0  }
0xad: {  	_ =	task [dreg:s9], $0x5FFFF  }
0xae: {  	[dreg:$0x1] =	wrdreg $0xFFFFFFFF  }
0xaf: {  	[dreg:$0x0] =	wrdreg $0x60  }
0xb0: {  	[dreg:$0x2] =	wrdreg s2  }
0xb1: {  	[dreg:$0x3] =	wrdreg s24  }
0xb2: {  	[dreg:$0x4] =	wrdreg s18  }
0xb3: {  	[dreg:$0x5] =	wrdreg s4  }
0xb4: {  	[dreg:$0x6] =	wrdreg $0x9  }
0xb5: {  	_ =	task.clear_ibuf [dreg:s9], $0x7FFFF;
	_ =	strace $0x90000046  }
0xb6: {  	s29 =	simm.s32 $0x9;
	_ =	strace $0x80000048  }
0xb7: {  	_ =	swait.ge [sflag:s29], $0x1  }
0xb8: {  	[sflag:s29] =	ssyncadd.s32 $0xFFFFFFFF  }
0xb9: {  	_ =	strace $0x90000048  }
0xba: {  	_ =	sfence  }
0xbb: {  	s30 =	sld [smem:$0x0];
	_ =	sdelay $0x2  }
0xbc: {  	s31 =	sshll.u32 s1, $0xD;
	s1 =	sshrl.u32 s1, $0x2  }
0xbd: {  	s3 =	sand.u32 $0x4000, s31;
	s1 =	sadd.s32 s1, s30  }
0xbe: {  	s0 =	sor.u32 s3, s0;
	s1 =	sshll.u32 s1, $0x11  }
0xbf: {  	s0 =	sor.u32 s1, s0  }
0xc0: {  	s0 =	sadd.s32 $0x8F2B, s0  }
0xc1: {  	[sflag:s0] =	ssyncadd.remote.s32 $0x1  }
0xc2: {  	_ =	sfence.sel $0xFFFF  }
0xc3: {  	[dreg:$0x0] =	wrdreg $0xFFFFFFFF;
	(pc) =	sbr.abs _section_cstart, $3  }
0xc4: {  	[dreg:$0x1] =	wrdreg $0xFFFFFFFF  }
0xc5: {  	_ =	task.clear_ibuf [dreg:s9], $0x2FFFF;
	_ =	strace $0x9FFFFFFF  }
0xc6: {  	(tm) =	ssettm $0x7FFFFFFF  }
0xc7: {  	_ =	shalt  }
tec
execute0_lowered:
.L_overlay_start_1:
0x0: {  	(tag) =	ssettag $0x1  }
0x1: {  	s0 =	rddreg [dreg:$0x0]  }
0x2: {  	s1 =	rddreg [dreg:$0x1]  }
0x3: {  	s2 =	srdreg.scid;
	s3 =	stileid.u32  }
0x4: {  	s7 =	simm.s32 $0x0;
	s2 =	sand.u32 $0x1, s2;
	s3 =	sshll.u32 s3, $0x1  }
0x5: {  	s12 =	simm.s32 $0x880;
	[smem:$0x7FF] =	sst s7;
	s3 =	sor.u32 s2, s3  }
0x6: {  	_ =	strace $0x80000047;
	s2 =	ssub.s32 $0x2, s2;
	s6 =	sshll.u32 s3, $0xB  }
0x7: {  	s4 =	sshll.u32 s3, $0x4;
	s28 =	sshll.u32 s3, $0xF;
	s26 =	sadd.s32 s1, s6  }
0x8: {  	s5 =	sshrl.u32 s2, $0x1;
	s0 =	sadd.s32 s0, s28;
	[dreg:$0x5] =	wrdreg s26  }
0x9: {  	s4 =	sadd.s32 s4, s1;
	s29 =	sadd.s32 $0x10000, s26;
	[dreg:$0x7] =	wrdreg s0  }
0xa: {  	s2 =	ssub.s32 s2, s5;
	s30 =	sadd.s32 $0x20000, s4;
	[dreg:$0x6] =	wrdreg s29  }
0xb: {  	s15 =	simm.s32 $0xC880;
	s31 =	smax.u32 s2, $0x1;
	[dreg:$0x8] =	wrdreg s30  }
0xc: {  	v0 =	vimm.f32 $0.0e+00;
	vm0 =	vcmask $0x3F0C;
	s1 =	simm.s32 $0x0;
	s2 =	simm.s32 $0x1;
	[dreg:$0x9] =	wrdreg s31  }
.LBB2_1:
0xd: {  	[dreg:$0xa] =	wrdreg s1  }
0xe: {  	s0 =	rddreg [dreg:$0x3]  }
0xf: {  	[tilespmem:s7], [sflag:$0x1] =	stream.linear.gather [hbm4b:s0+s7], $0x800, $0x38;
	[tilespmem:$0xC980] =	vst v63  }
0x10: {  	_ =	swait.ge [sflag:s2], $0x800  }
0x11: {  	[sflag:s2] =	ssyncset.done $0x0  }
0x12: {  	[sflag:s2] =	ssyncadd.s32 $0xFFFFF800  }
0x13: {  	s28 =	simm.s32 $0x800;
	s26 =	rddreg [dreg:$0x2]  }
0x14: {  	[tilespmem:s28], [sflag:$0x1] =	stream.linear.gather [hbm4b:s26+s7], $0x80, $0x38;
	[tilespmem:$0xC980] =	vst v63  }
0x15: {  	_ =	swait.ge [sflag:s2], $0x80  }
0x16: {  	[sflag:s2] =	ssyncset.done $0x0  }
0x17: {  	s29 =	rddreg [dreg:$0x5];
	[sflag:s2] =	ssyncadd.s32 $0xFFFFFF80  }
0x18: {  	[tilespmem:s12], [sflag:$0x1] =	stream.linear.gather [hbm4b:s29+s7], $0x4000, $0x38;
	[tilespmem:$0xC980] =	vst v63  }
0x19: {  	_ =	swait.ge [sflag:s2], $0x4000  }
0x1a: {  	[sflag:s2] =	ssyncset.done $0x0  }
0x1b: {  	s31 =	simm.s32 $0x4880;
	s30 =	rddreg [dreg:$0x6];
	[sflag:s2] =	ssyncadd.s32 $0xFFFFC000  }
0x1c: {  	[tilespmem:s31], [sflag:$0x1] =	stream.linear.gather [hbm4b:s30+s7], $0x4000, $0x38;
	[tilespmem:$0xC980] =	vst v63  }
0x1d: {  	_ =	swait.ge [sflag:s2], $0x4000  }
0x1e: {  	[sflag:s2] =	ssyncset.done $0x0  }
0x1f: {  	[sflag:s2] =	ssyncadd.s32 $0xFFFFC000  }
0x20: {  	v1 =	vld [tilespmem:$0x800]  }
0x21: {  	v2 =	vld [tilespmem:$0x810]  }
0x22: {  	v3 =	vld [tilespmem:$0x820]  }
0x23: {  	v4 =	vld [tilespmem:$0x830];
	_ =	sdelay $0x1  }
0x24: {  	v1 =	vadd.f32 $9.999999930e-09, v1  }
0x25: {  	v2 =	vadd.f32 $9.999999930e-09, v2  }
0x26: {  	(erf) = vrcp.f32 v1;
	v1 =	vadd.f32 $9.999999930e-09, v3  }
0x27: {  	(erf) = vrcp.f32 v2;
	v2 =	vadd.f32 $9.999999930e-09, v4  }
0x28: {  	(erf) = vrcp.f32 v1  }
0x29: {  	(erf) = vrcp.f32 v2;
	_ =	sdelay $0x5  }
0x2a: {  	v2 =	vpop (erf)  }
0x2b: {  	v3 =	vpop (erf)  }
0x2c: {  	v4 =	vpop (erf)  }
0x2d: {  	s1 =	simm.f32 $0.0e+00;
	s5 =	simm.s32 $0x0;
	s0 =	simm.f32 $0.0e+00;
	v1 =	vimm.f32 $0.0e+00;
	v5 =	vpop (erf)  }
.LBB2_2:
0x2e: {  	[dreg:$0xd] =	wrdreg s1  }
0x2f: {  	[dreg:$0xc] =	wrdreg s0  }
0x30: {  	s25 =	sshll.u32 s5, $0xB;
	s26 =	rddreg [dreg:$0x7]  }
0x31: {  	s1 =	simm.s32 $0x0;
	s3 =	simm.s32 $0x8880;
	s0 =	sadd.s32 s25, s26  }
0x32: {  	[tilespmem:s3], [sflag:$0x1] =	stream.linear.gather [hbm4b:s0+s1], $0x4000, $0x38;
	[tilespmem:$0xC980] =	vst v63  }
0x33: {  	[tilespmem:$0x1FFF0] =	vst v1;
	v6 =	vmov s1;
	s0 =	sshll.u32 s5, $0xA  }
0x34: {  	v6 =	vand.u32 $0x7F, v6;
	_ =	swait.ge [sflag:s2], $0x4000;
	v1 =	vmov s0  }
0x35: {  	[sflag:s2] =	ssyncset.done $0x0;
	v6 =	vadd.s32 v1, v6  }
0x36: {  	[sflag:s2] =	ssyncadd.s32 $0xFFFFC000;
	v6 =	vbroadcast v6, $0x0  }
0x37: {  	[tilespmem:$0xC880] =	vst v0  }
0x38: {  	[tilespmem:$0xC890] =	vst v0  }
0x39: {  	[tilespmem:$0xC8A0] =	vst v0  }
0x3a: {  	s28 =	sand.u32 $0x3C00, s1;
	[tilespmem:$0xC8B0] =	vst v0  }
0x3b: {  	s29 =	sand.u32 $0x60, s1;
	s2 =	sadd.s32 $0x8880, s28;
	v7 =	vld [tilespmem:s1+$0x0]  }
0x3c: {  	s4 =	sor.u32 s29, s2;
	v8 =	vld.idx.msk [tilespmem:v6+s12+$0x0], $0xffff  }
0x3d: {  	v6 =	vld [tilespmem:s4+$0x0];
	_ =	sdelay $0x4  }
0x3e: {  	v6 =	vmul.f32 v6, v8  }
0x3f: {  	s3 =	sor.u32 $0x10, s29  }
0x40: {  	s31 =	sand.u32 $0x780, s1;
	s2 =	sor.u32 s3, s2;
	[tilespmem:v7+s15+$0x0] =	vst.idx.add.f32.msk $0xffff, v6  }
0x41: {  	v9 =	vld [tilespmem:s2+$0x0];
	s2 =	sor.u32 s3, s31  }
0x42: {  	s30 =	simm.s32 $0x1;
	v7 =	vld [tilespmem:s2+$0x0]  }
0x43: {  	v6 =	vmov s30  }
0x44: {  	v6 =	vand.u32 $0x7F, v6  }
0x45: {  	v6 =	vadd.s32 v1, v6  }
0x46: {  	v6 =	vbroadcast v6, $0x0  }
0x47: {  	s21 =	sshll.u32 s5, $0x3;
	[dreg:$0xb] =	wrdreg s5  }
0x48: {  	s4 =	simm.s32 $0x2;
	s3 =	simm.s32 $0x100;
	s2 =	simm.s32 $0x20;
	v8 =	vmul.f32 v9, v8  }
.LBB2_3:
0x49: {  	s5 =	sand.u32 $0x3C00, s3  }
0x4a: {  	[tilespmem:v7+s15+$0x0] =	vst.idx.add.f32.msk $0xffff, v8;
	s1 =	sadd.s32 $0x20, s1;
	s6 =	smov.u32 s4;
	s8 =	sadd.s32 $0x1, s4  }
0x4b: {  	p0 =	sne.s32 s4, $0x3F;
	s4 =	sand.u32 $0x60, s1;
	v7 =	vld [tilespmem:s2+$0x0];
	s5 =	sadd.s32 $0x8880, s5  }
0x4c: {  	v8 =	vld.idx.msk [tilespmem:v6+s12+$0x0], $0xffff;
	s9 =	sor.u32 s4, s5  }
0x4d: {  	v6 =	vld [tilespmem:s9+$0x0];
	_ =	sdelay $0x4  }
0x4e: {  	v6 =	vmul.f32 v6, v8  }
0x4f: {  	s4 =	sor.u32 $0x10, s4;
	s9 =	sand.u32 $0x780, s1  }
0x50: {  	s9 =	sor.u32 s4, s9;
	[tilespmem:v7+s15+$0x0] =	vst.idx.add.f32.msk $0xffff, v6  }
0x51: {  	s4 =	sor.u32 s4, s5;
	v7 =	vld [tilespmem:s9+$0x0]  }
0x52: {  	v6 =	vmov s6;
	v9 =	vld [tilespmem:s4+$0x0]  }
0x53: {  	v6 =	vand.u32 $0x7F, v6  }
.Ltmp0:
0x54: {  	v6 =	vadd.s32 v1, v6;
	(pc) =	sbr.rel @p0 .LBB2_3-.Ltmp0, $3  }
0x55: {  	v6 =	vbroadcast v6, $0x0;
	_ =	sdelay $0x1  }
0x56: {  	v8 =	vmul.f32 v9, v8  }
0x57: {  	s3 =	sadd.s32 $0x100, s3;
	s2 =	sadd.s32 $0x20, s2;
	s4 =	smov.u32 s8  }
0x58: {  	_ =	sdelay $0x3  }
0x59: {  	s3 =	sand.u32 $0x3C00, s3;
	[tilespmem:v7+s15+$0x0] =	vst.idx.add.f32.msk $0xffff, v8;
	s1 =	sadd.s32 $0x20, s1  }
0x5a: {  	s4 =	sand.u32 $0x60, s1;
	v1 =	vld [tilespmem:s2+$0x0];
	s20 =	sadd.s32 $0x8880, s3  }
0x5b: {  	v6 =	vld.idx.msk [tilespmem:v6+s12+$0x0], $0xffff;
	s3 =	sor.u32 s4, s20  }
0x5c: {  	v7 =	vld [tilespmem:s3+$0x0];
	_ =	sdelay $0x4  }
0x5d: {  	v7 =	vmul.f32 v7, v6  }
0x5e: {  	s1 =	sand.u32 $0x780, s1;
	s22 =	sor.u32 $0x10, s4  }
0x5f: {  	s1 =	sor.u32 s22, s1;
	[tilespmem:v1+s15+$0x0] =	vst.idx.add.f32.msk $0xffff, v7  }
0x60: {  	s23 =	sor.u32 s22, s20;
	v1 =	vld [tilespmem:s1+$0x0]  }
0x61: {  	v7 =	vld [tilespmem:s23+$0x0];
	_ =	sdelay $0x4  }
0x62: {  	v6 =	vmul.f32 v7, v6;
	_ =	sdelay $0x1  }
0x63: {  	s24 =	sand.u32 $0x3FFFFC00, s0;
	[tilespmem:v1+s15+$0x0] =	vst.idx.add.f32.msk $0xffff, v6  }
0x64: {  	v1 =	vld [tilespmem:s24+$0x4880];
	_ =	sdelay $0x4  }
0x65: {  	[tilespmem:$0x1FFB0] =	vst v1;
	v1 =	vld [tilespmem:s24+$0x4890];
	_ =	sdelay $0x1  }
0x66: {  	v8 =	vld [tilespmem:s24+$0x48A0]  }
0x67: {  	s25 =	sor.u32 $0x1, s21;
	s1 =	simm.s32 $0x0  }
0x68: {  	s0 =	sshll.u32 s25, $0x7;
	v6 =	vmov s1  }
0x69: {  	v6 =	vand.u32 $0x7F, v6;
	[tilespmem:$0x1FFC0] =	vst v1;
	v1 =	vmov s0  }
0x6a: {  	v6 =	vadd.s32 v1, v6  }
0x6b: {  	[tilespmem:$0x1FFD0] =	vst v8;
	v8 =	vld [tilespmem:s24+$0x48B0];
	v6 =	vbroadcast v6, $0x0  }
0x6c: {  	v7 =	vld [tilespmem:$0xC880];
	[tilespmem:$0xC880] =	vst v0  }
0x6d: {  	v12 =	vld [tilespmem:$0xC890];
	[tilespmem:$0xC890] =	vst v0  }
0x6e: {  	v13 =	vld [tilespmem:$0xC8A0];
	[tilespmem:$0xC8A0] =	vst v0  }
0x6f: {  	s26 =	sand.u32 $0x3C00, s1;
	v14 =	vld [tilespmem:$0xC8B0];
	[tilespmem:$0xC8B0] =	vst v0  }
0x70: {  	s28 =	sand.u32 $0x60, s1;
	s2 =	sadd.s32 $0x8880, s26;
	[tilespmem:$0x1FFE0] =	vst v8;
	v8 =	vld [tilespmem:s1+$0x0]  }
0x71: {  	s29 =	sor.u32 s28, s2;
	v15 =	vld.idx.msk [tilespmem:v6+s12+$0x0], $0xffff  }
0x72: {  	v6 =	vld [tilespmem:s29+$0x80];
	_ =	sdelay $0x4  }
0x73: {  	v6 =	vmul.f32 v6, v15  }
0x74: {  	s3 =	sor.u32 $0x10, s28  }
0x75: {  	s31 =	sand.u32 $0x780, s1;
	s2 =	sor.u32 s3, s2;
	[tilespmem:v8+s15+$0x0] =	vst.idx.add.f32.msk $0xffff, v6  }
0x76: {  	v16 =	vld [tilespmem:s2+$0x80];
	s2 =	sor.u32 s3, s31  }
0x77: {  	s30 =	simm.s32 $0x1;
	v8 =	vld [tilespmem:s2+$0x0]  }
0x78: {  	v6 =	vmov s30  }
0x79: {  	v6 =	vand.u32 $0x7F, v6  }
0x7a: {  	v6 =	vadd.s32 v1, v6  }
0x7b: {  	v6 =	vbroadcast v6, $0x0;
	_ =	sdelay $0x1  }
0x7c: {  	s4 =	simm.s32 $0x2;
	s3 =	simm.s32 $0x100;
	s2 =	simm.s32 $0x20;
	v15 =	vmul.f32 v16, v15  }
.LBB2_5:
0x7d: {  	s5 =	sand.u32 $0x3C00, s3  }
0x7e: {  	[tilespmem:v8+s15+$0x0] =	vst.idx.add.f32.msk $0xffff, v15;
	s1 =	sadd.s32 $0x20, s1;
	s6 =	smov.u32 s4;
	s8 =	sadd.s32 $0x1, s4  }
0x7f: {  	p0 =	sne.s32 s4, $0x3F;
	s4 =	sand.u32 $0x60, s1;
	v8 =	vld [tilespmem:s2+$0x0];
	s5 =	sadd.s32 $0x8880, s5  }
0x80: {  	v15 =	vld.idx.msk [tilespmem:v6+s12+$0x0], $0xffff;
	s9 =	sor.u32 s4, s5  }
0x81: {  	v6 =	vld [tilespmem:s9+$0x80];
	_ =	sdelay $0x4  }
0x82: {  	v6 =	vmul.f32 v6, v15  }
0x83: {  	s4 =	sor.u32 $0x10, s4;
	s9 =	sand.u32 $0x780, s1  }
0x84: {  	s9 =	sor.u32 s4, s9;
	[tilespmem:v8+s15+$0x0] =	vst.idx.add.f32.msk $0xffff, v6  }
0x85: {  	s4 =	sor.u32 s4, s5;
	v8 =	vld [tilespmem:s9+$0x0]  }
0x86: {  	v6 =	vmov s6;
	v16 =	vld [tilespmem:s4+$0x80]  }
0x87: {  	v6 =	vand.u32 $0x7F, v6  }
.Ltmp1:
0x88: {  	v6 =	vadd.s32 v1, v6;
	(pc) =	sbr.rel @p0 .LBB2_5-.Ltmp1, $3  }
0x89: {  	v6 =	vbroadcast v6, $0x0;
	_ =	sdelay $0x1  }
0x8a: {  	v15 =	vmul.f32 v16, v15  }
0x8b: {  	s3 =	sadd.s32 $0x100, s3;
	s2 =	sadd.s32 $0x20, s2;
	s4 =	smov.u32 s8  }
0x8c: {  	_ =	sdelay $0x3  }
0x8d: {  	s3 =	sand.u32 $0x3C00, s3;
	[tilespmem:v8+s15+$0x0] =	vst.idx.add.f32.msk $0xffff, v15;
	s1 =	sadd.s32 $0x20, s1  }
0x8e: {  	s4 =	sand.u32 $0x60, s1;
	v1 =	vld [tilespmem:s2+$0x0];
	s20 =	sadd.s32 $0x8880, s3  }
0x8f: {  	v6 =	vld.idx.msk [tilespmem:v6+s12+$0x0], $0xffff;
	s3 =	sor.u32 s4, s20  }
0x90: {  	v8 =	vld [tilespmem:s3+$0x80];
	_ =	sdelay $0x4  }
0x91: {  	v8 =	vmul.f32 v8, v6  }
0x92: {  	s1 =	sand.u32 $0x780, s1;
	s22 =	sor.u32 $0x10, s4  }
0x93: {  	s1 =	sor.u32 s22, s1;
	[tilespmem:v1+s15+$0x0] =	vst.idx.add.f32.msk $0xffff, v8  }
0x94: {  	s23 =	sor.u32 s22, s20;
	v1 =	vld [tilespmem:s1+$0x0]  }
0x95: {  	v8 =	vld [tilespmem:s23+$0x80];
	_ =	sdelay $0x4  }
0x96: {  	v6 =	vmul.f32 v8, v6;
	_ =	sdelay $0x1  }
0x97: {  	s24 =	sand.u32 $0x3FFFFF80, s0;
	[tilespmem:v1+s15+$0x0] =	vst.idx.add.f32.msk $0xffff, v6  }
0x98: {  	v1 =	vld [tilespmem:s24+$0x4880];
	_ =	sdelay $0x4  }
0x99: {  	[tilespmem:$0x1FF70] =	vst v1;
	v1 =	vld [tilespmem:s24+$0x4890];
	_ =	sdelay $0x1  }
0x9a: {  	v8 =	vld [tilespmem:s24+$0x48A0]  }
0x9b: {  	s25 =	sor.u32 $0x2, s21;
	s1 =	simm.s32 $0x0  }
0x9c: {  	s0 =	sshll.u32 s25, $0x7;
	v6 =	vmov s1  }
0x9d: {  	v6 =	vand.u32 $0x7F, v6;
	[tilespmem:$0x1FF80] =	vst v1;
	v1 =	vmov s0  }
0x9e: {  	v6 =	vadd.s32 v1, v6  }
0x9f: {  	[tilespmem:$0x1FF90] =	vst v8;
	v8 =	vld [tilespmem:s24+$0x48B0];
	v6 =	vbroadcast v6, $0x0  }
0xa0: {  	v15 =	vld [tilespmem:$0xC880];
	[tilespmem:$0xC880] =	vst v0  }
0xa1: {  	v21 =	vld [tilespmem:$0xC890];
	[tilespmem:$0xC890] =	vst v0  }
0xa2: {  	v20 =	vld [tilespmem:$0xC8A0];
	[tilespmem:$0xC8A0] =	vst v0  }
0xa3: {  	s26 =	sand.u32 $0x3C00, s1;
	v22 =	vld [tilespmem:$0xC8B0];
	[tilespmem:$0xC8B0] =	vst v0  }
0xa4: {  	s28 =	sand.u32 $0x60, s1;
	s2 =	sadd.s32 $0x8880, s26;
	[tilespmem:$0x1FFA0] =	vst v8;
	v8 =	vld [tilespmem:s1+$0x0]  }
0xa5: {  	s29 =	sor.u32 s28, s2;
	v23 =	vld.idx.msk [tilespmem:v6+s12+$0x0], $0xffff  }
0xa6: {  	v6 =	vld [tilespmem:s29+$0x100];
	_ =	sdelay $0x4  }
0xa7: {  	v6 =	vmul.f32 v6, v23  }
0xa8: {  	s3 =	sor.u32 $0x10, s28  }
0xa9: {  	s31 =	sand.u32 $0x780, s1;
	s2 =	sor.u32 s3, s2;
	[tilespmem:v8+s15+$0x0] =	vst.idx.add.f32.msk $0xffff, v6  }
0xaa: {  	v24 =	vld [tilespmem:s2+$0x100];
	s2 =	sor.u32 s3, s31  }
0xab: {  	s30 =	simm.s32 $0x1;
	v8 =	vld [tilespmem:s2+$0x0]  }
0xac: {  	v6 =	vmov s30  }
0xad: {  	v6 =	vand.u32 $0x7F, v6  }
0xae: {  	v6 =	vadd.s32 v1, v6  }
0xaf: {  	v6 =	vbroadcast v6, $0x0;
	_ =	sdelay $0x1  }
0xb0: {  	s4 =	simm.s32 $0x2;
	s3 =	simm.s32 $0x100;
	s2 =	simm.s32 $0x20;
	v23 =	vmul.f32 v24, v23  }
.LBB2_7:
0xb1: {  	s5 =	sand.u32 $0x3C00, s3  }
0xb2: {  	[tilespmem:v8+s15+$0x0] =	vst.idx.add.f32.msk $0xffff, v23;
	s1 =	sadd.s32 $0x20, s1;
	s6 =	smov.u32 s4;
	s8 =	sadd.s32 $0x1, s4  }
0xb3: {  	p0 =	sne.s32 s4, $0x3F;
	s4 =	sand.u32 $0x60, s1;
	v8 =	vld [tilespmem:s2+$0x0];
	s5 =	sadd.s32 $0x8880, s5  }
0xb4: {  	v23 =	vld.idx.msk [tilespmem:v6+s12+$0x0], $0xffff;
	s9 =	sor.u32 s4, s5  }
0xb5: {  	v6 =	vld [tilespmem:s9+$0x100];
	_ =	sdelay $0x4  }
0xb6: {  	v6 =	vmul.f32 v6, v23  }
0xb7: {  	s4 =	sor.u32 $0x10, s4;
	s9 =	sand.u32 $0x780, s1  }
0xb8: {  	s9 =	sor.u32 s4, s9;
	[tilespmem:v8+s15+$0x0] =	vst.idx.add.f32.msk $0xffff, v6  }
0xb9: {  	s4 =	sor.u32 s4, s5;
	v8 =	vld [tilespmem:s9+$0x0]  }
0xba: {  	v6 =	vmov s6;
	v24 =	vld [tilespmem:s4+$0x100]  }
0xbb: {  	v6 =	vand.u32 $0x7F, v6  }
.Ltmp2:
0xbc: {  	v6 =	vadd.s32 v1, v6;
	(pc) =	sbr.rel @p0 .LBB2_7-.Ltmp2, $3  }
0xbd: {  	v6 =	vbroadcast v6, $0x0;
	_ =	sdelay $0x1  }
0xbe: {  	v23 =	vmul.f32 v24, v23  }
0xbf: {  	s3 =	sadd.s32 $0x100, s3;
	s2 =	sadd.s32 $0x20, s2;
	s4 =	smov.u32 s8  }
0xc0: {  	_ =	sdelay $0x3  }
0xc1: {  	s3 =	sand.u32 $0x3C00, s3;
	[tilespmem:v8+s15+$0x0] =	vst.idx.add.f32.msk $0xffff, v23;
	s1 =	sadd.s32 $0x20, s1  }
0xc2: {  	s4 =	sand.u32 $0x60, s1;
	v1 =	vld [tilespmem:s2+$0x0];
	s20 =	sadd.s32 $0x8880, s3  }
0xc3: {  	v6 =	vld.idx.msk [tilespmem:v6+s12+$0x0], $0xffff;
	s3 =	sor.u32 s4, s20  }
0xc4: {  	v8 =	vld [tilespmem:s3+$0x100];
	_ =	sdelay $0x4  }
0xc5: {  	v8 =	vmul.f32 v8, v6  }
0xc6: {  	s1 =	sand.u32 $0x780, s1;
	s22 =	sor.u32 $0x10, s4  }
0xc7: {  	s1 =	sor.u32 s22, s1;
	[tilespmem:v1+s15+$0x0] =	vst.idx.add.f32.msk $0xffff, v8  }
0xc8: {  	s23 =	sor.u32 s22, s20;
	v1 =	vld [tilespmem:s1+$0x0]  }
0xc9: {  	v8 =	vld [tilespmem:s23+$0x100];
	_ =	sdelay $0x4  }
0xca: {  	v6 =	vmul.f32 v8, v6;
	_ =	sdelay $0x1  }
0xcb: {  	s24 =	sand.u32 $0x3FFFFF80, s0;
	[tilespmem:v1+s15+$0x0] =	vst.idx.add.f32.msk $0xffff, v6  }
0xcc: {  	v1 =	vld [tilespmem:s24+$0x4880];
	_ =	sdelay $0x4  }
0xcd: {  	[tilespmem:$0x1FF50] =	vst v1;
	v1 =	vld [tilespmem:s24+$0x4890];
	_ =	sdelay $0x2  }
0xce: {  	s25 =	sor.u32 $0x3, s21;
	s1 =	simm.s32 $0x0  }
0xcf: {  	s0 =	sshll.u32 s25, $0x7;
	v6 =	vmov s1  }
0xd0: {  	v6 =	vand.u32 $0x7F, v6;
	[tilespmem:$0x1FF60] =	vst v1;
	v1 =	vmov s0  }
0xd1: {  	v24 =	vld [tilespmem:$0xC880];
	v6 =	vadd.s32 v1, v6  }
0xd2: {  	v26 =	vld [tilespmem:s24+$0x48A0];
	v6 =	vbroadcast v6, $0x0  }
0xd3: {  	v27 =	vld [tilespmem:s24+$0x48B0];
	[tilespmem:$0xC880] =	vst v0  }
0xd4: {  	v28 =	vld [tilespmem:$0xC890];
	[tilespmem:$0xC890] =	vst v0  }
0xd5: {  	v29 =	vld [tilespmem:$0xC8A0];
	[tilespmem:$0xC8A0] =	vst v0  }
0xd6: {  	s26 =	sand.u32 $0x3C00, s1;
	v30 =	vld [tilespmem:$0xC8B0];
	[tilespmem:$0xC8B0] =	vst v0  }
0xd7: {  	s28 =	sand.u32 $0x60, s1;
	s2 =	sadd.s32 $0x8880, s26;
	v8 =	vld [tilespmem:s1+$0x0]  }
0xd8: {  	s29 =	sor.u32 s28, s2;
	v31 =	vld.idx.msk [tilespmem:v6+s12+$0x0], $0xffff  }
0xd9: {  	v6 =	vld [tilespmem:s29+$0x180];
	_ =	sdelay $0x4  }
0xda: {  	v6 =	vmul.f32 v6, v31  }
0xdb: {  	s3 =	sor.u32 $0x10, s28  }
0xdc: {  	s31 =	sand.u32 $0x780, s1;
	s2 =	sor.u32 s3, s2;
	[tilespmem:v8+s15+$0x0] =	vst.idx.add.f32.msk $0xffff, v6  }
0xdd: {  	v32 =	vld [tilespmem:s2+$0x180];
	s2 =	sor.u32 s3, s31  }
0xde: {  	s30 =	simm.s32 $0x1;
	v8 =	vld [tilespmem:s2+$0x0]  }
0xdf: {  	v6 =	vmov s30  }
0xe0: {  	v6 =	vand.u32 $0x7F, v6  }
0xe1: {  	v6 =	vadd.s32 v1, v6  }
0xe2: {  	v6 =	vbroadcast v6, $0x0;
	_ =	sdelay $0x1  }
0xe3: {  	s4 =	simm.s32 $0x2;
	s3 =	simm.s32 $0x100;
	s2 =	simm.s32 $0x20;
	v31 =	vmul.f32 v32, v31  }
.LBB2_9:
0xe4: {  	s5 =	sand.u32 $0x3C00, s3  }
0xe5: {  	[tilespmem:v8+s15+$0x0] =	vst.idx.add.f32.msk $0xffff, v31;
	s1 =	sadd.s32 $0x20, s1;
	s6 =	smov.u32 s4;
	s8 =	sadd.s32 $0x1, s4  }
0xe6: {  	p0 =	sne.s32 s4, $0x3F;
	s4 =	sand.u32 $0x60, s1;
	v8 =	vld [tilespmem:s2+$0x0];
	s5 =	sadd.s32 $0x8880, s5  }
0xe7: {  	v31 =	vld.idx.msk [tilespmem:v6+s12+$0x0], $0xffff;
	s9 =	sor.u32 s4, s5  }
0xe8: {  	v6 =	vld [tilespmem:s9+$0x180];
	_ =	sdelay $0x4  }
0xe9: {  	v6 =	vmul.f32 v6, v31  }
0xea: {  	s4 =	sor.u32 $0x10, s4;
	s9 =	sand.u32 $0x780, s1  }
0xeb: {  	s9 =	sor.u32 s4, s9;
	[tilespmem:v8+s15+$0x0] =	vst.idx.add.f32.msk $0xffff, v6  }
0xec: {  	s4 =	sor.u32 s4, s5;
	v8 =	vld [tilespmem:s9+$0x0]  }
0xed: {  	v6 =	vmov s6;
	v32 =	vld [tilespmem:s4+$0x180]  }
0xee: {  	v6 =	vand.u32 $0x7F, v6  }
.Ltmp3:
0xef: {  	v6 =	vadd.s32 v1, v6;
	(pc) =	sbr.rel @p0 .LBB2_9-.Ltmp3, $3  }
0xf0: {  	v6 =	vbroadcast v6, $0x0;
	_ =	sdelay $0x1  }
0xf1: {  	v31 =	vmul.f32 v32, v31  }
0xf2: {  	s3 =	sadd.s32 $0x100, s3;
	s2 =	sadd.s32 $0x20, s2;
	s4 =	smov.u32 s8  }
0xf3: {  	_ =	sdelay $0x3  }
0xf4: {  	s3 =	sand.u32 $0x3C00, s3;
	[tilespmem:v8+s15+$0x0] =	vst.idx.add.f32.msk $0xffff, v31;
	s1 =	sadd.s32 $0x20, s1  }
0xf5: {  	s4 =	sand.u32 $0x60, s1;
	v1 =	vld [tilespmem:s2+$0x0];
	s20 =	sadd.s32 $0x8880, s3  }
0xf6: {  	v6 =	vld.idx.msk [tilespmem:v6+s12+$0x0], $0xffff;
	s3 =	sor.u32 s4, s20  }
0xf7: {  	v8 =	vld [tilespmem:s3+$0x180];
	_ =	sdelay $0x4  }
0xf8: {  	v8 =	vmul.f32 v8, v6  }
0xf9: {  	s1 =	sand.u32 $0x780, s1;
	s22 =	sor.u32 $0x10, s4  }
0xfa: {  	s1 =	sor.u32 s22, s1;
	[tilespmem:v1+s15+$0x0] =	vst.idx.add.f32.msk $0xffff, v8  }
0xfb: {  	s23 =	sor.u32 s22, s20;
	v1 =	vld [tilespmem:s1+$0x0]  }
0xfc: {  	v8 =	vld [tilespmem:s23+$0x180];
	_ =	sdelay $0x4  }
0xfd: {  	v6 =	vmul.f32 v8, v6;
	_ =	sdelay $0x1  }
0xfe: {  	s25 =	sor.u32 $0x4, s21;
	s1 =	simm.s32 $0x0;
	[tilespmem:v1+s15+$0x0] =	vst.idx.add.f32.msk $0xffff, v6  }
0xff: {  	s24 =	sand.u32 $0x3FFFFF80, s0;
	s0 =	sshll.u32 s25, $0x7;
	v6 =	vmov s1;
	v31 =	vld [tilespmem:$0xC880]  }
0x100: {  	v1 =	vmov s0;
	v32 =	vld [tilespmem:s24+$0x4880];
	v6 =	vand.u32 $0x7F, v6  }
0x101: {  	v33 =	vld [tilespmem:s24+$0x4890];
	v6 =	vadd.s32 v1, v6  }
0x102: {  	v34 =	vld [tilespmem:s24+$0x48A0];
	v6 =	vbroadcast v6, $0x0  }
0x103: {  	v35 =	vld [tilespmem:s24+$0x48B0];
	[tilespmem:$0xC880] =	vst v0  }
0x104: {  	v37 =	vld [tilespmem:$0xC890];
	[tilespmem:$0xC890] =	vst v0  }
0x105: {  	v36 =	vld [tilespmem:$0xC8A0];
	[tilespmem:$0xC8A0] =	vst v0  }
0x106: {  	s26 =	sand.u32 $0x3C00, s1;
	v38 =	vld [tilespmem:$0xC8B0];
	[tilespmem:$0xC8B0] =	vst v0  }
0x107: {  	s28 =	sand.u32 $0x60, s1;
	s2 =	sadd.s32 $0x8880, s26;
	v8 =	vld [tilespmem:s1+$0x0]  }
0x108: {  	s29 =	sor.u32 s28, s2;
	v39 =	vld.idx.msk [tilespmem:v6+s12+$0x0], $0xffff  }
0x109: {  	v6 =	vld [tilespmem:s29+$0x200];
	_ =	sdelay $0x4  }
0x10a: {  	v6 =	vmul.f32 v6, v39  }
0x10b: {  	s3 =	sor.u32 $0x10, s28  }
0x10c: {  	s31 =	sand.u32 $0x780, s1;
	s2 =	sor.u32 s3, s2;
	[tilespmem:v8+s15+$0x0] =	vst.idx.add.f32.msk $0xffff, v6  }
0x10d: {  	v40 =	vld [tilespmem:s2+$0x200];
	s2 =	sor.u32 s3, s31  }
0x10e: {  	s30 =	simm.s32 $0x1;
	v8 =	vld [tilespmem:s2+$0x0]  }
0x10f: {  	v6 =	vmov s30  }
0x110: {  	v6 =	vand.u32 $0x7F, v6  }
0x111: {  	v6 =	vadd.s32 v1, v6  }
0x112: {  	v6 =	vbroadcast v6, $0x0;
	_ =	sdelay $0x1  }
0x113: {  	s4 =	simm.s32 $0x2;
	s3 =	simm.s32 $0x100;
	s2 =	simm.s32 $0x20;
	v39 =	vmul.f32 v40, v39  }
.LBB2_11:
0x114: {  	s5 =	sand.u32 $0x3C00, s3  }
0x115: {  	[tilespmem:v8+s15+$0x0] =	vst.idx.add.f32.msk $0xffff, v39;
	s1 =	sadd.s32 $0x20, s1;
	s6 =	smov.u32 s4;
	s8 =	sadd.s32 $0x1, s4  }
0x116: {  	p0 =	sne.s32 s4, $0x3F;
	s4 =	sand.u32 $0x60, s1;
	v8 =	vld [tilespmem:s2+$0x0];
	s5 =	sadd.s32 $0x8880, s5  }
0x117: {  	v39 =	vld.idx.msk [tilespmem:v6+s12+$0x0], $0xffff;
	s9 =	sor.u32 s4, s5  }
0x118: {  	v6 =	vld [tilespmem:s9+$0x200];
	_ =	sdelay $0x4  }
0x119: {  	v6 =	vmul.f32 v6, v39  }
0x11a: {  	s4 =	sor.u32 $0x10, s4;
	s9 =	sand.u32 $0x780, s1  }
0x11b: {  	s9 =	sor.u32 s4, s9;
	[tilespmem:v8+s15+$0x0] =	vst.idx.add.f32.msk $0xffff, v6  }
0x11c: {  	s4 =	sor.u32 s4, s5;
	v8 =	vld [tilespmem:s9+$0x0]  }
0x11d: {  	v6 =	vmov s6;
	v40 =	vld [tilespmem:s4+$0x200]  }
0x11e: {  	v6 =	vand.u32 $0x7F, v6  }
.Ltmp4:
0x11f: {  	v6 =	vadd.s32 v1, v6;
	(pc) =	sbr.rel @p0 .LBB2_11-.Ltmp4, $3  }
0x120: {  	v6 =	vbroadcast v6, $0x0;
	_ =	sdelay $0x1  }
0x121: {  	v39 =	vmul.f32 v40, v39  }
0x122: {  	s3 =	sadd.s32 $0x100, s3;
	s2 =	sadd.s32 $0x20, s2;
	s4 =	smov.u32 s8  }
0x123: {  	_ =	sdelay $0x3  }
0x124: {  	s3 =	sand.u32 $0x3C00, s3;
	[tilespmem:v8+s15+$0x0] =	vst.idx.add.f32.msk $0xffff, v39;
	s1 =	sadd.s32 $0x20, s1  }
0x125: {  	s4 =	sand.u32 $0x60, s1;
	v1 =	vld [tilespmem:s2+$0x0];
	s20 =	sadd.s32 $0x8880, s3  }
0x126: {  	v6 =	vld.idx.msk [tilespmem:v6+s12+$0x0], $0xffff;
	s3 =	sor.u32 s4, s20  }
0x127: {  	v8 =	vld [tilespmem:s3+$0x200];
	_ =	sdelay $0x4  }
0x128: {  	v8 =	vmul.f32 v8, v6  }
0x129: {  	s1 =	sand.u32 $0x780, s1;
	s22 =	sor.u32 $0x10, s4  }
0x12a: {  	s1 =	sor.u32 s22, s1;
	[tilespmem:v1+s15+$0x0] =	vst.idx.add.f32.msk $0xffff, v8  }
0x12b: {  	s23 =	sor.u32 s22, s20;
	v1 =	vld [tilespmem:s1+$0x0]  }
0x12c: {  	v8 =	vld [tilespmem:s23+$0x200];
	_ =	sdelay $0x4  }
0x12d: {  	v6 =	vmul.f32 v8, v6;
	_ =	sdelay $0x1  }
0x12e: {  	s25 =	sor.u32 $0x5, s21;
	s1 =	simm.s32 $0x0;
	[tilespmem:v1+s15+$0x0] =	vst.idx.add.f32.msk $0xffff, v6  }
0x12f: {  	s24 =	sand.u32 $0x3FFFFF80, s0;
	s0 =	sshll.u32 s25, $0x7;
	v6 =	vmov s1;
	v40 =	vld [tilespmem:$0xC880]  }
0x130: {  	v1 =	vmov s0;
	v39 =	vld [tilespmem:s24+$0x4880];
	v6 =	vand.u32 $0x7F, v6  }
0x131: {  	v41 =	vld [tilespmem:s24+$0x4890];
	v6 =	vadd.s32 v1, v6  }
0x132: {  	v42 =	vld [tilespmem:s24+$0x48A0];
	v6 =	vbroadcast v6, $0x0  }
0x133: {  	v43 =	vld [tilespmem:s24+$0x48B0];
	[tilespmem:$0xC880] =	vst v0  }
0x134: {  	v44 =	vld [tilespmem:$0xC890];
	[tilespmem:$0xC890] =	vst v0  }
0x135: {  	v45 =	vld [tilespmem:$0xC8A0];
	[tilespmem:$0xC8A0] =	vst v0  }
0x136: {  	s26 =	sand.u32 $0x3C00, s1;
	v46 =	vld [tilespmem:$0xC8B0];
	[tilespmem:$0xC8B0] =	vst v0  }
0x137: {  	s28 =	sand.u32 $0x60, s1;
	s2 =	sadd.s32 $0x8880, s26;
	v8 =	vld [tilespmem:s1+$0x0]  }
0x138: {  	s29 =	sor.u32 s28, s2;
	v47 =	vld.idx.msk [tilespmem:v6+s12+$0x0], $0xffff  }
0x139: {  	v6 =	vld [tilespmem:s29+$0x280];
	_ =	sdelay $0x4  }
0x13a: {  	v6 =	vmul.f32 v6, v47  }
0x13b: {  	s3 =	sor.u32 $0x10, s28  }
0x13c: {  	s31 =	sand.u32 $0x780, s1;
	s2 =	sor.u32 s3, s2;
	[tilespmem:v8+s15+$0x0] =	vst.idx.add.f32.msk $0xffff, v6  }
0x13d: {  	v48 =	vld [tilespmem:s2+$0x280];
	s2 =	sor.u32 s3, s31  }
0x13e: {  	s30 =	simm.s32 $0x1;
	v8 =	vld [tilespmem:s2+$0x0]  }
0x13f: {  	v6 =	vmov s30  }
0x140: {  	v6 =	vand.u32 $0x7F, v6  }
0x141: {  	v6 =	vadd.s32 v1, v6  }
0x142: {  	v6 =	vbroadcast v6, $0x0;
	_ =	sdelay $0x1  }
0x143: {  	s4 =	simm.s32 $0x2;
	s3 =	simm.s32 $0x100;
	s2 =	simm.s32 $0x20;
	v47 =	vmul.f32 v48, v47  }
.LBB2_13:
0x144: {  	s5 =	sand.u32 $0x3C00, s3  }
0x145: {  	[tilespmem:v8+s15+$0x0] =	vst.idx.add.f32.msk $0xffff, v47;
	s1 =	sadd.s32 $0x20, s1;
	s6 =	smov.u32 s4;
	s8 =	sadd.s32 $0x1, s4  }
0x146: {  	p0 =	sne.s32 s4, $0x3F;
	s4 =	sand.u32 $0x60, s1;
	v8 =	vld [tilespmem:s2+$0x0];
	s5 =	sadd.s32 $0x8880, s5  }
0x147: {  	v47 =	vld.idx.msk [tilespmem:v6+s12+$0x0], $0xffff;
	s9 =	sor.u32 s4, s5  }
0x148: {  	v6 =	vld [tilespmem:s9+$0x280];
	_ =	sdelay $0x4  }
0x149: {  	v6 =	vmul.f32 v6, v47  }
0x14a: {  	s4 =	sor.u32 $0x10, s4;
	s9 =	sand.u32 $0x780, s1  }
0x14b: {  	s9 =	sor.u32 s4, s9;
	[tilespmem:v8+s15+$0x0] =	vst.idx.add.f32.msk $0xffff, v6  }
0x14c: {  	s4 =	sor.u32 s4, s5;
	v8 =	vld [tilespmem:s9+$0x0]  }
0x14d: {  	v6 =	vmov s6;
	v48 =	vld [tilespmem:s4+$0x280]  }
0x14e: {  	v6 =	vand.u32 $0x7F, v6  }
.Ltmp5:
0x14f: {  	v6 =	vadd.s32 v1, v6;
	(pc) =	sbr.rel @p0 .LBB2_13-.Ltmp5, $3  }
0x150: {  	v6 =	vbroadcast v6, $0x0;
	_ =	sdelay $0x1  }
0x151: {  	v47 =	vmul.f32 v48, v47  }
0x152: {  	s3 =	sadd.s32 $0x100, s3;
	s2 =	sadd.s32 $0x20, s2;
	s4 =	smov.u32 s8  }
0x153: {  	_ =	sdelay $0x3  }
0x154: {  	s3 =	sand.u32 $0x3C00, s3;
	[tilespmem:v8+s15+$0x0] =	vst.idx.add.f32.msk $0xffff, v47;
	s1 =	sadd.s32 $0x20, s1  }
0x155: {  	s4 =	sand.u32 $0x60, s1;
	v1 =	vld [tilespmem:s2+$0x0];
	s23 =	sadd.s32 $0x8880, s3  }
0x156: {  	v6 =	vld.idx.msk [tilespmem:v6+s12+$0x0], $0xffff;
	s3 =	sor.u32 s4, s23  }
0x157: {  	v8 =	vld [tilespmem:s3+$0x280];
	_ =	sdelay $0x4  }
0x158: {  	v8 =	vmul.f32 v8, v6  }
0x159: {  	s1 =	sand.u32 $0x780, s1;
	s24 =	sor.u32 $0x10, s4  }
0x15a: {  	s1 =	sor.u32 s24, s1;
	[tilespmem:v1+s15+$0x0] =	vst.idx.add.f32.msk $0xffff, v8  }
0x15b: {  	s25 =	sor.u32 s24, s23;
	v1 =	vld [tilespmem:s1+$0x0]  }
0x15c: {  	v8 =	vld [tilespmem:s25+$0x280];
	_ =	sdelay $0x4  }
0x15d: {  	v6 =	vmul.f32 v8, v6;
	_ =	sdelay $0x1  }
0x15e: {  	s28 =	sor.u32 $0x6, s21;
	s1 =	simm.s32 $0x0;
	[tilespmem:v1+s15+$0x0] =	vst.idx.add.f32.msk $0xffff, v6  }
0x15f: {  	s26 =	sand.u32 $0x3FFFFF80, s0;
	s0 =	sshll.u32 s28, $0x7;
	v6 =	vmov s1;
	v48 =	vld [tilespmem:$0xC880]  }
0x160: {  	v1 =	vmov s0;
	v47 =	vld [tilespmem:s26+$0x4880];
	v6 =	vand.u32 $0x7F, v6  }
0x161: {  	v49 =	vld [tilespmem:s26+$0x4890];
	v6 =	vadd.s32 v1, v6  }
0x162: {  	v50 =	vld [tilespmem:s26+$0x48A0];
	v6 =	vbroadcast v6, $0x0  }
0x163: {  	v51 =	vld [tilespmem:s26+$0x48B0];
	[tilespmem:$0xC880] =	vst v0  }
0x164: {  	v52 =	vld [tilespmem:$0xC890];
	[tilespmem:$0xC890] =	vst v0  }
0x165: {  	s29 =	sand.u32 $0x3, s1;
	v53 =	vld [tilespmem:$0xC8A0];
	[tilespmem:$0xC8A0] =	vst v0  }
0x166: {  	s2 =	sshll.u32 s29, $0x5;
	v54 =	vld [tilespmem:$0xC8B0];
	[tilespmem:$0xC8B0] =	vst v0  }
0x167: {  	s2 =	sadd.s32 $0x0, s2;
	v8 =	vld [tilespmem:s1+$0x0]  }
0x168: {  	s30 =	sor.u32 $0x300, s2;
	v55 =	vld.idx.msk [tilespmem:v6+s12+$0x0], $0xffff  }
0x169: {  	v6 =	vld [tilespmem:s30+$0x8880];
	_ =	sdelay $0x4  }
0x16a: {  	v6 =	vmul.f32 v6, v55;
	_ =	sdelay $0x1  }
0x16b: {  	s31 =	sand.u32 $0x7E0, s1;
	s2 =	sadd.s32 $0x10, s2;
	[tilespmem:v8+s15+$0x0] =	vst.idx.add.f32.msk $0xffff, v6  }
0x16c: {  	s3 =	simm.s32 $0x1;
	s2 =	sor.u32 $0x300, s2;
	v8 =	vld [tilespmem:s31+$0x10]  }
0x16d: {  	v6 =	vmov s3;
	v56 =	vld [tilespmem:s2+$0x8880]  }
0x16e: {  	v6 =	vand.u32 $0x7F, v6  }
0x16f: {  	v6 =	vadd.s32 v1, v6  }
0x170: {  	v6 =	vbroadcast v6, $0x0  }
0x171: {  	s5 =	simm.s32 $0x2  }
0x172: {  	s4 =	simm.s32 $0x20;
	s6 =	sand.u32 $0x3, s3;
	s2 =	simm.s32 $0x20;
	v55 =	vmul.f32 v56, v55  }
.LBB2_15:
0x173: {  	s6 =	sshll.u32 s6, $0x5  }
0x174: {  	[tilespmem:v8+s15+$0x0] =	vst.idx.add.f32.msk $0xffff, v55;
	s1 =	sadd.s32 $0x100, s1;
	s8 =	smov.u32 s5;
	s9 =	sadd.s32 $0x1, s5  }
0x175: {  	p0 =	sne.s32 s5, $0x3F;
	s5 =	sadd.s32 s6, s1;
	v8 =	vld [tilespmem:s4+$0x0]  }
0x176: {  	v55 =	vld.idx.msk [tilespmem:v6+s12+$0x0], $0xffff;
	s6 =	sor.u32 $0x300, s5;
	s5 =	sadd.s32 $0x10, s5  }
0x177: {  	v6 =	vld [tilespmem:s6+$0x8880];
	_ =	sdelay $0x4  }
0x178: {  	v6 =	vmul.f32 v6, v55;
	_ =	sdelay $0x1  }
0x179: {  	s6 =	sand.u32 $0x7E0, s2;
	[tilespmem:v8+s15+$0x0] =	vst.idx.add.f32.msk $0xffff, v6  }
0x17a: {  	s5 =	sor.u32 $0x300, s5;
	v8 =	vld [tilespmem:s6+$0x10]  }
0x17b: {  	v6 =	vmov s8;
	v56 =	vld [tilespmem:s5+$0x8880]  }
0x17c: {  	v6 =	vand.u32 $0x7F, v6  }
.Ltmp6:
0x17d: {  	v6 =	vadd.s32 v1, v6;
	(pc) =	sbr.rel @p0 .LBB2_15-.Ltmp6, $3  }
0x17e: {  	v6 =	vbroadcast v6, $0x0;
	_ =	sdelay $0x1  }
0x17f: {  	s3 =	sadd.s32 $0x1, s3;
	s4 =	sadd.s32 $0x20, s4;
	v55 =	vmul.f32 v56, v55  }
0x180: {  	s2 =	sadd.s32 $0x20, s2;
	s6 =	sand.u32 $0x3, s3;
	s5 =	smov.u32 s9  }
0x181: {  	_ =	sdelay $0x3  }
0x182: {  	s3 =	sshll.u32 s6, $0x5;
	[tilespmem:v8+s15+$0x0] =	vst.idx.add.f32.msk $0xffff, v55;
	s1 =	sadd.s32 $0x100, s1  }
0x183: {  	s1 =	sadd.s32 s3, s1;
	v1 =	vld [tilespmem:s4+$0x0]  }
0x184: {  	v6 =	vld.idx.msk [tilespmem:v6+s12+$0x0], $0xffff;
	s3 =	sor.u32 $0x300, s1  }
0x185: {  	v8 =	vld [tilespmem:s3+$0x8880];
	_ =	sdelay $0x4  }
0x186: {  	v8 =	vmul.f32 v8, v6;
	_ =	sdelay $0x1  }
0x187: {  	s2 =	sand.u32 $0x7E0, s2;
	s1 =	sadd.s32 $0x10, s1;
	[tilespmem:v1+s15+$0x0] =	vst.idx.add.f32.msk $0xffff, v8  }
0x188: {  	s1 =	sor.u32 $0x300, s1;
	v1 =	vld [tilespmem:s2+$0x10]  }
0x189: {  	v8 =	vld [tilespmem:s1+$0x8880];
	_ =	sdelay $0x4  }
0x18a: {  	v6 =	vmul.f32 v8, v6;
	_ =	sdelay $0x1  }
0x18b: {  	s28 =	sor.u32 $0x7, s21;
	s23 =	simm.s32 $0x0;
	[tilespmem:v1+s15+$0x0] =	vst.idx.add.f32.msk $0xffff, v6  }
0x18c: {  	s0 =	sand.u32 $0x3FFFFF80, s0;
	s21 =	sshll.u32 s28, $0x7;
	v1 =	vmov s23;
	v55 =	vld [tilespmem:$0xC880]  }
0x18d: {  	v8 =	vmov s21;
	v56 =	vld [tilespmem:s0+$0x4880];
	v1 =	vand.u32 $0x7F, v1  }
0x18e: {  	v57 =	vld [tilespmem:s0+$0x4890];
	v1 =	vadd.s32 v8, v1  }
0x18f: {  	v58 =	vld [tilespmem:s0+$0x48A0];
	v1 =	vbroadcast v1, $0x0  }
0x190: {  	v59 =	vld [tilespmem:s0+$0x48B0];
	[tilespmem:$0xC880] =	vst v0  }
0x191: {  	v61 =	vld [tilespmem:$0xC890];
	[tilespmem:$0xC890] =	vst v0  }
0x192: {  	s29 =	sand.u32 $0x3, s23;
	v60 =	vld [tilespmem:$0xC8A0];
	[tilespmem:$0xC8A0] =	vst v0  }
0x193: {  	v62 =	vld [tilespmem:$0xC8B0];
	[tilespmem:$0xC8B0] =	vst v0;
	s0 =	sshll.u32 s29, $0x5  }
0x194: {  	s0 =	sadd.s32 $0x0, s0;
	v6 =	vld [tilespmem:s23+$0x0]  }
0x195: {  	s30 =	sor.u32 $0x380, s0;
	v9 =	vld.idx.msk [tilespmem:v1+s12+$0x0], $0xffff  }
0x196: {  	v1 =	vld [tilespmem:s30+$0x8880];
	_ =	sdelay $0x4  }
0x197: {  	v1 =	vmul.f32 v1, v9  }
0x198: {  	s0 =	sadd.s32 $0x10, s0  }
0x199: {  	s0 =	sor.u32 $0x380, s0;
	[tilespmem:v6+s15+$0x0] =	vst.idx.add.f32.msk $0xffff, v1  }
0x19a: {  	v6 =	vld [tilespmem:s0+$0x8880];
	s0 =	simm.s32 $0x1  }
0x19b: {  	v1 =	vmov s0  }
0x19c: {  	s31 =	sand.u32 $0x7E0, s23;
	v1 =	vand.u32 $0x7F, v1  }
0x19d: {  	v63 =	vadd.s32 v8, v1;
	v1 =	vld [tilespmem:s31+$0x10];
	_ =	sdelay $0x3  }
0x19e: {  	v63 =	vbroadcast v63, $0x0  }
0x19f: {  	s22 =	simm.s32 $0x20  }
0x1a0: {  	s24 =	simm.s32 $0x20;
	s1 =	simm.s32 $0x2;
	s25 =	sand.u32 $0x3, s0;
	v6 =	vmul.f32 v6, v9  }
.LBB2_17:
0x1a1: {  	s2 =	sshll.u32 s25, $0x5  }
0x1a2: {  	[tilespmem:v1+s15+$0x0] =	vst.idx.add.f32.msk $0xffff, v6;
	s23 =	sadd.s32 $0x100, s23;
	s3 =	smov.u32 s1;
	s4 =	sadd.s32 $0x1, s1  }
0x1a3: {  	p0 =	sne.s32 s1, $0x3F;
	s1 =	sadd.s32 s2, s23;
	v1 =	vld [tilespmem:s24+$0x0]  }
0x1a4: {  	v6 =	vld.idx.msk [tilespmem:v63+s12+$0x0], $0xffff;
	s2 =	sor.u32 $0x380, s1;
	s1 =	sadd.s32 $0x10, s1  }
0x1a5: {  	v9 =	vld [tilespmem:s2+$0x8880];
	_ =	sdelay $0x4  }
0x1a6: {  	v9 =	vmul.f32 v9, v6;
	_ =	sdelay $0x1  }
0x1a7: {  	s2 =	sand.u32 $0x7E0, s22;
	[tilespmem:v1+s15+$0x0] =	vst.idx.add.f32.msk $0xffff, v9  }
0x1a8: {  	s1 =	sor.u32 $0x380, s1;
	v1 =	vld [tilespmem:s2+$0x10]  }
0x1a9: {  	v9 =	vmov s3;
	v10 =	vld [tilespmem:s1+$0x8880]  }
0x1aa: {  	v9 =	vand.u32 $0x7F, v9  }
.Ltmp7:
0x1ab: {  	v9 =	vadd.s32 v8, v9;
	(pc) =	sbr.rel @p0 .LBB2_17-.Ltmp7, $4  }
0x1ac: {  	v63 =	vbroadcast v9, $0x0  }
0x1ad: {  	s0 =	sadd.s32 $0x1, s0  }
0x1ae: {  	s25 =	sand.u32 $0x3, s0;
	v6 =	vmul.f32 v10, v6  }
0x1af: {  	s24 =	sadd.s32 $0x20, s24;
	s22 =	sadd.s32 $0x20, s22;
	s1 =	smov.u32 s4  }
0x1b0: {  	v8 =	vmul.f32 v7, v2  }
0x1b1: {  	v9 =	vmul.f32 v12, v3;
	v10 =	vmul.f32 v13, v4  }
0x1b2: {  	v11 =	vmul.f32 v14, v5;
	v16 =	vmul.f32 v8, v8  }
0x1b3: {  	v17 =	vmul.f32 v9, v9;
	v18 =	vmul.f32 v10, v10  }
0x1b4: {  	v19 =	vmul.f32 v11, v11;
	v23 =	vadd.f32 v9, v8;
	v25 =	vadd.f32 v11, v10  }
0x1b5: {  	v16 =	vadd.f32 v17, v16  }
0x1b6: {  	v17 =	vadd.f32 v19, v18;
	v25 =	vadd.f32 v25, v23  }
0x1b7: {  	v23 =	vld [tilespmem:$0x1FFB0]  }
0x1b8: {  	v16 =	vadd.f32 v17, v16;
	(xrf2) =	vadd.scan.msk.f32 $0xffff, v25;
	v25 =	vld [tilespmem:$0x1FFC0];
	_ =	sdelay $0x1  }
0x1b9: {  	(xrf2) =	vadd.scan.msk.f32 $0xffff, v16;
	_ =	sdelay $0x1  }
0x1ba: {  	v8 =	vmax.f32 v8, v9;
	v9 =	vadd.f32 v12, v7;
	v17 =	vld [tilespmem:$0x1FFD0]  }
0x1bb: {  	v19 =	vmax.f32 v10, v11;
	v7 =	vmul.f32 v23, v7;
	v11 =	vadd.f32 v25, v23;
	v23 =	vld [tilespmem:$0x1FFE0]  }
0x1bc: {  	v10 =	vadd.f32 v14, v13;
	v8 =	vmax.f32 v8, v19  }
0x1bd: {  	(xrf0) =	vmax.scan.msk.f32 $0xffff, v8;
	v8 =	vmul.f32 v15, v2  }
0x1be: {  	v9 =	vadd.f32 v10, v9;
	v10 =	vmul.f32 v21, v3;
	v12 =	vmul.f32 v25, v12  }
0x1bf: {  	v16 =	vmul.f32 v20, v4;
	v18 =	vmul.f32 v8, v8  }
0x1c0: {  	v19 =	vmul.f32 v10, v10;
	v13 =	vmul.f32 v17, v13;
	v25 =	vadd.f32 v23, v17  }
0x1c1: {  	v7 =	vadd.f32 v12, v7;
	v14 =	vmul.f32 v23, v14;
	v17 =	vmul.f32 v22, v5;
	v23, _, _ =	vpop (xrf2)  }
0x1c2: {  	(v2sf) =	vpush v23, $0xF;
	v23 =	vmul.f32 v16, v16;
	v11 =	vadd.f32 v25, v11;
	v12, _, _ =	vpop (xrf2)  }
0x1c3: {  	v25 =	vmul.f32 v17, v17;
	v13 =	vadd.f32 v14, v13;
	(v2sf) =	vpush v12, $0xF  }
0x1c4: {  	v12 =	vadd.f32 v19, v18;
	v19 =	vadd.f32 v10, v8  }
0x1c5: {  	v18, _, _ =	vpop (xrf0);
	v14 =	vadd.f32 v25, v23;
	v25 =	vadd.f32 v17, v16  }
0x1c6: {  	(v2sf) =	vpush v18, $0xF;
	v18 =	vld [tilespmem:$0x1FFA0]  }
0x1c7: {  	(xrf2) =	vadd.scan.msk.f32 $0xffff, v9;
	v23 =	vadd.f32 v25, v19;
	v25 =	vld [tilespmem:$0x1FF70]  }
0x1c8: {  	(xrf2) =	vadd.scan.msk.f32 $0xffff, v11;
	v11 =	vadd.f32 v14, v12;
	v12 =	vmax.f32 v16, v17;
	v16 =	vld [tilespmem:$0x1FF80]  }
0x1c9: {  	v7 =	vadd.f32 v13, v7;
	v17 =	vld [tilespmem:$0x1FF90];
	_ =	sdelay $0x1  }
0x1ca: {  	(xrf2) =	vadd.scan.msk.f32 $0xffff, v7;
	v7 =	vmax.f32 v8, v10;
	v8 =	vadd.f32 v21, v15;
	v10 =	vadd.f32 v22, v20;
	_ =	sdelay $0x1  }
0x1cb: {  	v8 =	vadd.f32 v10, v8  }
0x1cc: {  	(xrf2) =	vadd.scan.msk.f32 $0xffff, v23;
	v13 =	vadd.f32 v16, v25;
	v23 =	vadd.f32 v18, v17  }
0x1cd: {  	v14 =	vmul.f32 v28, v3;
	(xrf2) =	vadd.scan.msk.f32 $0xffff, v11;
	v22 =	vmul.f32 v18, v22  }
0x1ce: {  	(xrf2) =	vadd.scan.msk.f32 $0xffff, v8;
	v8 =	vmul.f32 v24, v2;
	v25 =	vmul.f32 v25, v15;
	v9 =	vadd.f32 v23, v13  }
0x1cf: {  	v19 =	vmul.f32 v16, v21;
	v21 =	vmul.f32 v17, v20  }
0x1d0: {  	v13 =	vmul.f32 v30, v5;
	(xrf2) =	vadd.scan.msk.f32 $0xffff, v9;
	v9 =	vmul.f32 v29, v4  }
0x1d1: {  	v7 =	vmax.f32 v7, v12;
	v11 =	vadd.f32 v22, v21  }
0x1d2: {  	v15 =	vmul.f32 v14, v14;
	v21 =	vadd.f32 v14, v8;
	v22 =	vadd.f32 v13, v9  }
0x1d3: {  	v12 =	vmul.f32 v8, v8;
	v10 =	vadd.f32 v19, v25;
	v23 =	vmul.f32 v13, v13;
	v25, _, _ =	vpop (xrf2)  }
0x1d4: {  	(xrf0) =	vmax.scan.msk.f32 $0xffff, v7;
	(v2sf) =	vpush v25, $0xF;
	v7 =	vmul.f32 v9, v9;
	v25 =	vadd.f32 v22, v21;
	v22 =	vld [tilespmem:$0x1FF50]  }
0x1d5: {  	v10 =	vadd.f32 v11, v10  }
0x1d6: {  	v12 =	vadd.f32 v15, v12;
	v11 =	vadd.f32 v23, v7  }
0x1d7: {  	v8 =	vmax.f32 v8, v14;
	(xrf2) =	vadd.scan.msk.f32 $0xffff, v10;
	v9 =	vmax.f32 v9, v13;
	v23, _, _ =	vpop (xrf2)  }
0x1d8: {  	v8 =	vmax.f32 v8, v9;
	v7, _, _ =	vpop (xrf2);
	v15 =	vadd.f32 v11, v12;
	(xrf2) =	vadd.scan.msk.f32 $0xffff, v25  }
0x1d9: {  	v9 =	vadd.f32 v28, v24;
	(v2sf) =	vpush v23, $0xF;
	v17, _, _ =	vpop (xrf2);
	v23 =	vmul.f32 v22, v24;
	v24 =	vld [tilespmem:$0x1FF60]  }
0x1da: {  	(v2sf) =	vpush v17, $0xF;
	v18, _, _ =	vpop (xrf2);
	(xrf2) =	vadd.scan.msk.f32 $0xffff, v15  }
0x1db: {  	v19, _, _ =	vpop (xrf0);
	(v2sf) =	vpush v18, $0xF  }
0x1dc: {  	v20, _, _ =	vpop (xrf2);
	(v2sf) =	vpush v19, $0xF  }
0x1dd: {  	v16 =	vmul.f32 v38, v5;
	v14 =	vmul.f32 v37, v3;
	v21, _, _ =	vpop (xrf2);
	(v2sf) =	vpush v20, $0xF  }
0x1de: {  	v20 =	vadd.f32 v27, v26;
	(v2sf) =	vpush v21, $0xF;
	v25 =	vmul.f32 v24, v28  }
0x1df: {  	(xrf0) =	vmax.scan.msk.f32 $0xffff, v8;
	v28 =	vadd.f32 v30, v29;
	v29 =	vmul.f32 v26, v29;
	v30 =	vmul.f32 v27, v30  }
0x1e0: {  	v13 =	vmul.f32 v31, v2;
	v15 =	vadd.f32 v24, v22;
	v10 =	vadd.f32 v25, v23  }
0x1e1: {  	v8, _, _ =	vpop (xrf2);
	v26 =	vmul.f32 v14, v14;
	v21 =	vadd.f32 v30, v29;
	v9 =	vadd.f32 v28, v9  }
0x1e2: {  	v12 =	vadd.f32 v20, v15;
	v22, _, _ =	vpop (xrf2);
	v25 =	vmul.f32 v13, v13;
	v29 =	vadd.f32 v14, v13  }
0x1e3: {  	v15 =	vmul.f32 v36, v4;
	(v2sf) =	vpush v22, $0xF;
	v22 =	vadd.f32 v38, v36  }
0x1e4: {  	v28 =	vmul.f32 v16, v16;
	v10 =	vadd.f32 v21, v10;
	v23, _, _ =	vpop (xrf2);
	v17 =	vadd.f32 v26, v25  }
0x1e5: {  	v24, _, _ =	vpop (xrf0);
	v27 =	vmul.f32 v15, v15;
	v30 =	vadd.f32 v16, v15;
	(v2sf) =	vpush v23, $0xF  }
0x1e6: {  	v18 =	vmul.f32 v46, v5;
	v21 =	vadd.f32 v37, v31;
	(v2sf) =	vpush v24, $0xF  }
0x1e7: {  	v13 =	vmax.f32 v13, v14;
	(xrf2) =	vadd.scan.msk.f32 $0xffff, v9;
	v11 =	vadd.f32 v28, v27;
	v23 =	vadd.f32 v30, v29  }
0x1e8: {  	(xrf2) =	vadd.scan.msk.f32 $0xffff, v12;
	v24 =	vmax.f32 v15, v16;
	v9 =	vadd.f32 v22, v21;
	v27 =	vmul.f32 v32, v31  }
0x1e9: {  	(xrf2) =	vadd.scan.msk.f32 $0xffff, v10;
	v29 =	vmul.f32 v33, v37;
	v31 =	vmul.f32 v34, v36;
	v25 =	vadd.f32 v11, v17  }
0x1ea: {  	v28 =	vadd.f32 v33, v32;
	v32 =	vmul.f32 v35, v38;
	v15 =	vmul.f32 v44, v3;
	(xrf2) =	vadd.scan.msk.f32 $0xffff, v23  }
0x1eb: {  	v26 =	vmax.f32 v13, v24;
	v13 =	vmul.f32 v40, v2;
	v17 =	vmul.f32 v45, v4;
	(xrf2) =	vadd.scan.msk.f32 $0xffff, v25  }
0x1ec: {  	v30 =	vadd.f32 v35, v34;
	v38 =	vmul.f32 v18, v18;
	v36 =	vmul.f32 v15, v15  }
0x1ed: {  	v33 =	vadd.f32 v29, v27;
	v35 =	vmul.f32 v13, v13;
	v37 =	vmul.f32 v17, v17  }
0x1ee: {  	s0 =	sshll.u32 s25, $0x5;
	s1 =	sadd.s32 $0x100, s23;
	v16 =	vadd.f32 v32, v31;
	v34 =	vadd.f32 v30, v28;
	(xrf2) =	vadd.scan.msk.f32 $0xffff, v9  }
0x1ef: {  	[tilespmem:v1+s15+$0x0] =	vst.idx.add.f32.msk $0xffff, v6;
	s0 =	sadd.s32 s0, s1;
	v1 =	vadd.f32 v36, v35;
	v6 =	vadd.f32 v38, v37  }
0x1f0: {  	s1 =	sor.u32 $0x380, s0;
	v14 =	vld.idx.msk [tilespmem:v63+s12+$0x0], $0xffff;
	v24 =	vadd.f32 v15, v13;
	v25 =	vadd.f32 v18, v17  }
0x1f1: {  	(xrf0) =	vmax.scan.msk.f32 $0xffff, v26;
	v28 =	vld [tilespmem:s1+$0x8880];
	v10 =	vadd.f32 v16, v33;
	v26, _, _ =	vpop (xrf2);
	v1 =	vadd.f32 v6, v1  }
0x1f2: {  	v30 =	vadd.f32 v44, v40;
	v11 =	vadd.f32 v25, v24;
	(xrf2) =	vadd.scan.msk.f32 $0xffff, v34;
	v6 =	vld [tilespmem:s24+$0x0];
	v27, _, _ =	vpop (xrf2)  }
0x1f3: {  	v31 =	vadd.f32 v46, v45;
	v36 =	vmul.f32 v39, v40;
	(v2sf) =	vpush v26, $0xF;
	(xrf2) =	vadd.scan.msk.f32 $0xffff, v10;
	v9, _, _ =	vpop (xrf2)  }
0x1f4: {  	v37 =	vmul.f32 v41, v44;
	v41 =	vadd.f32 v41, v39;
	(v2sf) =	vpush v27, $0xF;
	(xrf2) =	vadd.scan.msk.f32 $0xffff, v11;
	v29, _, _ =	vpop (xrf2)  }
0x1f5: {  	v40 =	vmul.f32 v43, v46;
	v44 =	vadd.f32 v43, v42;
	(xrf2) =	vadd.scan.msk.f32 $0xffff, v1;
	(v2sf) =	vpush v29, $0xF;
	v1, _, _ =	vpop (xrf2)  }
0x1f6: {  	v38 =	vmul.f32 v42, v45;
	(v2sf) =	vpush v1, $0xF;
	v1 =	vadd.f32 v31, v30  }
0x1f7: {  	v63 =	vmul.f32 v52, v3;
	v35 =	vmax.f32 v13, v15;
	v34 =	vmul.f32 v28, v14  }
0x1f8: {  	v45 =	vadd.f32 v40, v38;
	v13 =	vadd.f32 v44, v41;
	v33, _, _ =	vpop (xrf2);
	(xrf2) =	vadd.scan.msk.f32 $0xffff, v1;
	v1 =	vmax.f32 v17, v18  }
0x1f9: {  	v32, _, _ =	vpop (xrf0);
	v44 =	vmul.f32 v49, v52;
	v11 =	vmul.f32 v48, v2;
	v1 =	vmax.f32 v35, v1  }
0x1fa: {  	(v2sf) =	vpush v32, $0xF;
	[tilespmem:v6+s15+$0x0] =	vst.idx.add.f32.msk $0xffff, v34;
	v6 =	vadd.f32 v37, v36;
	(xrf0) =	vmax.scan.msk.f32 $0xffff, v1  }
0x1fb: {  	(v2sf) =	vpush v33, $0xF;
	v17 =	vmul.f32 v53, v4;
	v33 =	vmul.f32 v54, v5  }
0x1fc: {  	s8 =	sand.u32 $0x7E0, s22;
	s0 =	sadd.s32 $0x10, s0;
	v43 =	vadd.f32 v54, v53;
	v36 =	vmul.f32 v11, v11;
	v37 =	vmul.f32 v63, v63;
	v1, _, _ =	vpop (xrf2)  }
0x1fd: {  	s0 =	sor.u32 $0x380, s0;
	v46 =	vld [tilespmem:s8+$0x10];
	v15 =	vadd.f32 v45, v6;
	v39 =	vmul.f32 v17, v17;
	v40 =	vmul.f32 v33, v33;
	v10, _, _ =	vpop (xrf2)  }
0x1fe: {  	v45 =	vmul.f32 v51, v54;
	v35 =	vadd.f32 v33, v17;
	(v2sf) =	vpush v1, $0xF;
	v1 =	vld [tilespmem:s0+$0x8880];
	v6, _, _ =	vpop (xrf2)  }
0x1ff: {  	s24 =	spop (v2sf);
	v17 =	vmax.f32 v17, v33;
	v42 =	vadd.f32 v40, v39;
	(v2sf) =	vpush v6, $0xF;
	v6, _, _ =	vpop (xrf2)  }
0x200: {  	s9 =	spop (v2sf);
	v39 =	vmul.f32 v57, v61;
	(v2sf) =	vpush v6, $0xF;
	v6 =	vadd.f32 v63, v11;
	v34, _, _ =	vpop (xrf0)  }
0x201: {  	s10 =	spop (v2sf);
	v40 =	vadd.f32 v59, v58;
	v11 =	vmax.f32 v11, v63;
	(v2sf) =	vpush v34, $0xF  }
0x202: {  	v17 =	vmax.f32 v11, v17;
	v41 =	vadd.f32 v35, v6;
	v6 =	vadd.f32 v37, v36  }
0x203: {  	(xrf2) =	vadd.scan.msk.f32 $0xffff, v13;
	v38, _, _ =	vpop (xrf2);
	v1 =	vmul.f32 v1, v14;
	v35 =	vadd.f32 v61, v55;
	v36 =	vadd.f32 v62, v60  }
0x204: {  	s11 =	spop (v2sf);
	v37 =	vmul.f32 v56, v55;
	(v2sf) =	vpush v38, $0xF;
	v38 =	vadd.f32 v57, v56  }
0x205: {  	[tilespmem:v46+s15+$0x0] =	vst.idx.add.f32.msk $0xffff, v1;
	v1 =	vadd.f32 v52, v48;
	v19 =	vadd.f32 v42, v6  }
0x206: {  	(xrf2) =	vadd.scan.msk.f32 $0xffff, v15;
	v6 =	vmul.f32 v47, v48;
	v46 =	vadd.f32 v49, v47;
	v47 =	vmul.f32 v55, v2  }
0x207: {  	(xrf0) =	vmax.scan.msk.f32 $0xffff, v17;
	v48 =	vmul.f32 v61, v3;
	v49 =	vadd.f32 v51, v50;
	v51 =	vmul.f32 v62, v5  }
0x208: {  	(xrf2) =	vadd.scan.msk.f32 $0xffff, v41;
	v41 =	vmul.f32 v58, v60;
	v42 =	vmul.f32 v59, v62;
	v17 =	vadd.f32 v40, v38  }
0x209: {  	v11 =	vld [tilespmem:$0xC8A0];
	v12 =	vadd.f32 v43, v1;
	v1 =	vmul.f32 v50, v53;
	v50 =	vmul.f32 v60, v4  }
0x20a: {  	v13 =	vld [tilespmem:$0xC8B0];
	v20 =	vadd.f32 v44, v6;
	v6 =	vmul.f32 v47, v47;
	v52 =	vmul.f32 v48, v48  }
0x20b: {  	s24 =	smul.f32 s24, s24;
	s2 =	spop (v2sf);
	v54 =	vmul.f32 v51, v51;
	v63 =	vadd.f32 v48, v47;
	v21 =	vadd.f32 v45, v1;
	v1 =	vld [tilespmem:$0xC880]  }
0x20c: {  	[dreg:$0xf] =	wrdreg s9;
	s29 =	spop (v2sf);
	v22 =	vadd.f32 v49, v46;
	v23 =	vmax.f32 v47, v48;
	v28 =	vadd.f32 v52, v6;
	v6 =	vld [tilespmem:$0xC890]  }
0x20d: {  	s11 =	sadd.f32 $9.999999930e-09, s11;
	s28 =	spop (v2sf);
	v43 =	vadd.f32 v36, v35;
	v48 =	vadd.f32 v39, v37;
	v55, _, _ =	vpop (xrf2);
	v53 =	vmul.f32 v50, v50  }
0x20e: {  	s2 =	sadd.f32 $9.999999930e-09, s2;
	s14 =	spop (v2sf);
	(xrf2) =	vadd.scan.msk.f32 $0xffff, v19;
	v26 =	vadd.f32 v42, v41;
	(v2sf) =	vpush v55, $0xF;
	v34 =	vmax.f32 v50, v51  }
0x20f: {  	s13 =	sand.u32 $0x3FFFFF80, s21;
	[dreg:$0xe] =	wrdreg s10;
	s16 =	spop (v2sf);
	v32 =	vadd.f32 v51, v50;
	(xrf2) =	vadd.scan.msk.f32 $0xffff, v12;
	v14 =	vmax.f32 v23, v34;
	v29 =	vadd.f32 v54, v53  }
0x210: {  	s7 =	smul.f32 s2, s11;
	s4 =	spop (v2sf);
	v15 =	vld [tilespmem:s13+$0x4880];
	(xrf2) =	vadd.scan.msk.f32 $0xffff, v22;
	v20 =	vadd.f32 v21, v20;
	v46 =	vmul.f32 v11, v4;
	v47 =	vmul.f32 v13, v5  }
0x211: {  	[dreg:$0x10] =	wrdreg s14;
	s6 =	spop (v2sf);
	v16 =	vld [tilespmem:s13+$0x4890];
	v18 =	vadd.f32 v32, v63;
	(xrf0) =	vmax.scan.msk.f32 $0xffff, v14;
	v44 =	vmul.f32 v1, v2;
	v45 =	vmul.f32 v6, v3  }
0x212: {  	s21 =	spop (v2sf);
	s6 =	smul.f32 s6, s6;
	v19 =	vld [tilespmem:s13+$0x48B0];
	v33 =	vadd.f32 v29, v28;
	(xrf2) =	vadd.scan.msk.f32 $0xffff, v20;
	v51 =	vmul.f32 v46, v46;
	v52 =	vmul.f32 v47, v47  }
0x213: {  	s4 =	sadd.f32 $9.999999930e-09, s4;
	s17 =	spop (v2sf);
	v57 =	vadd.f32 v47, v46;
	(xrf2) =	vadd.scan.msk.f32 $0xffff, v18;
	v18 =	vld [tilespmem:s13+$0x48A0];
	v49 =	vmul.f32 v44, v44;
	v50 =	vmul.f32 v45, v45  }
0x214: {  	[dreg:$0x11] =	wrdreg s17;
	s6 =	smul.f32 $1.562500000e-02, s6;
	v20 =	vadd.f32 v26, v48;
	(xrf2) =	vadd.scan.msk.f32 $0xffff, v33;
	v54 =	vadd.f32 v45, v44  }
0x215: {  	s0 =	sadd.f32 $9.999999930e-09, s16;
	s5 =	spop (v2sf);
	v59, _, _ =	vpop (xrf2);
	v56 =	vadd.f32 v52, v51;
	(xrf2) =	vadd.scan.msk.f32 $0xffff, v43;
	v53 =	vadd.f32 v50, v49  }
0x216: {  	s6 =	ssub.f32 s21, s6;
	s8 =	spop (v2sf);
	v58, _, _ =	vpop (xrf0);
	v63 =	vadd.f32 v13, v11;
	(xrf2) =	vadd.scan.msk.f32 $0xffff, v17;
	v60 =	vadd.f32 v57, v54  }
0x217: {  	s5 =	sadd.f32 $9.999999930e-09, s5;
	s9 =	spop (v2sf);
	v62 =	vadd.f32 v6, v1;
	v61, _, _ =	vpop (xrf2);
	(xrf2) =	vadd.scan.msk.f32 $0xffff, v20;
	v21 =	vadd.f32 v56, v53  }
0x218: {  	s8 =	sadd.f32 $9.999999930e-09, s8;
	s3 =	spop (v2sf);
	v31 =	vadd.f32 v16, v15;
	v30, _, _ =	vpop (xrf2);
	v32 =	vadd.f32 v19, v18;
	(xrf2) =	vadd.scan.msk.f32 $0xffff, v60  }
0x219: {  	s10 =	smul.f32 s4, s0;
	s26 =	spop (v2sf);
	(v2sf) =	vpush v61, $0xF;
	v40, _, _ =	vpop (xrf0);
	v20 =	vadd.f32 v63, v62;
	(xrf2) =	vadd.scan.msk.f32 $0xffff, v21  }
0x21a: {  	s19 =	smul.f32 s8, s5;
	s13 =	spop (v2sf);
	(v2sf) =	vpush v30, $0xF;
	v33, _, _ =	vpop (xrf2);
	v17 =	vadd.f32 v32, v31  }
0x21b: {  	s6 =	smul.f32 $1.587301680e-02, s6;
	v37 =	vmax.f32 v46, v47;
	s22 =	sadd.f32 $9.999999930e-09, s13;
	(v2sf) =	vpush v58, $0xF;
	v34, _, _ =	vpop (xrf2);
	(xrf2) =	vadd.scan.msk.f32 $0xffff, v20  }
0x21c: {  	s18 =	spop (v2sf);
	v51 =	vmov s19;
	s19 =	rddreg [dreg:$0xc];
	v36 =	vmax.f32 v44, v45;
	(v2sf) =	vpush v33, $0xF;
	v35, _, _ =	vpop (xrf2);
	(xrf2) =	vadd.scan.msk.f32 $0xffff, v17  }
0x21d: {  	s17 =	spop (v2sf);
	s2 =	sadd.f32 $9.999999930e-09, s18;
	(v2sf) =	vpush v34, $0xF;
	v20 =	vmax.f32 v36, v37;
	v38, _, _ =	vpop (xrf2)  }
0x21e: {  	s11 =	spop (v2sf);
	v49 =	vmov s7;
	s7 =	smul.f32 $1.562500000e-02, s24;
	(xrf0) =	vmax.scan.msk.f32 $0xffff, v20;
	v39, _, _ =	vpop (xrf2);
	(v2sf) =	vpush v38, $0xF  }
0x21f: {  	s31 =	spop (v2sf);
	s24 =	smul.f32 s29, s29;
	v41, _, _ =	vpop (xrf2);
	(v2sf) =	vpush v39, $0xF  }
0x220: {  	s29 =	rddreg [dreg:$0xf];
	s16 =	spop (v2sf);
	v42, _, _ =	vpop (xrf2);
	(v2sf) =	vpush v40, $0xF  }
0x221: {  	s9 =	smul.f32 s9, s9;
	s23 =	sadd.f32 $9.999999930e-09, s16;
	v43, _, _ =	vpop (xrf2);
	(v2sf) =	vpush v41, $0xF  }
0x222: {  	s7 =	ssub.f32 s29, s7;
	s24 =	smul.f32 $1.562500000e-02, s24;
	(v2sf) =	vpush v42, $0xF;
	v44, _, _ =	vpop (xrf2)  }
0x223: {  	s18 =	smul.f32 s2, s22;
	s29 =	rddreg [dreg:$0xd];
	(v2sf) =	vpush v44, $0xF;
	v45, _, _ =	vpop (xrf2)  }
0x224: {  	v50 =	vmov s10;
	s7 =	smul.f32 $1.587301680e-02, s7;
	s10 =	ssub.f32 s28, s24;
	v46, _, _ =	vpop (xrf0);
	(v2sf) =	vpush v45, $0xF  }
0x225: {  	s24 =	smul.f32 $1.562500000e-02, s9;
	s20 =	spop (v2sf);
	v47, _, _ =	vpop (xrf2);
	(v2sf) =	vpush v46, $0xF  }
0x226: {  	s28 =	smul.f32 s17, s17;
	s0 =	sadd.f32 $9.999999930e-09, s20;
	v48, _, _ =	vpop (xrf2);
	(v2sf) =	vpush v47, $0xF  }
0x227: {  	s7 =	sadd.f32 s7, s29;
	s10 =	smul.f32 $1.587301680e-02, s10;
	(v2sf) =	vpush v48, $0xF  }
0x228: {  	s29 =	rddreg [dreg:$0x10];
	s14 =	spop (v2sf)  }
0x229: {  	s9 =	smul.f32 $1.562500000e-02, s28;
	s8 =	spop (v2sf)  }
0x22a: {  	s1 =	smul.f32 s0, s23;
	s30 =	spop (v2sf)  }
0x22b: {  	s7 =	sadd.f32 s10, s7;
	s25 =	spop (v2sf)  }
0x22c: {  	v53 =	vmov s1;
	s1 =	ssub.f32 s3, s24;
	s20 =	spop (v2sf)  }
0x22d: {  	(erf) = vrcp.f32 v49;
	s3 =	ssub.f32 s11, s9;
	s4 =	spop (v2sf)  }
0x22e: {  	v13 =	vmul.f32 v19, v13;
	s16 =	sadd.f32 $9.999999930e-09, s25;
	s13 =	spop (v2sf)  }
0x22f: {  	v1 =	vmul.f32 v15, v1;
	v6 =	vmul.f32 v16, v6;
	s20 =	sadd.f32 $9.999999930e-09, s20;
	s25 =	spop (v2sf)  }
0x230: {  	v11 =	vmul.f32 v18, v11;
	(erf) = vrcp.f32 v50;
	s1 =	smul.f32 $1.587301680e-02, s1;
	s23 =	spop (v2sf)  }
0x231: {  	s2 =	smul.f32 s20, s16;
	s22 =	spop (v2sf)  }
0x232: {  	v1 =	vadd.f32 v6, v1;
	v6 =	vadd.f32 v13, v11;
	s0 =	sadd.f32 $9.999999930e-09, s23;
	s5 =	spop (v2sf)  }
0x233: {  	(erf) = vrcp.f32 v51;
	s23 =	sadd.f32 $9.999999930e-09, s22;
	s16 =	spop (v2sf)  }
0x234: {  	v55 =	vld [tilespmem:$0x1FFF0];
	v52 =	vmov s18;
	v1 =	vadd.f32 v6, v1;
	v6 =	vmov s2;
	s2 =	sadd.f32 s6, s7;
	s22 =	spop (v2sf)  }
0x235: {  	v7 =	vbroadcast v7, $0xF;
	(erf) = vrcp.f32 v52;
	s20 =	smul.f32 s23, s0;
	s0 =	spop (v2sf)  }
0x236: {  	v54 =	vpop (erf);
	s23 =	sadd.f32 $9.999999930e-09, s0;
	s0 =	spop (v2sf)  }
0x237: {  	(erf) = vrcp.f32 v53;
	v7 =	vmul.f32 v54, v7;
	s0 =	sadd.f32 $9.999999930e-09, s0  }
0x238: {  	v8 =	vbroadcast v8, $0xF;
	s3 =	smul.f32 $1.587301680e-02, s3;
	s1 =	sadd.f32 s1, s2  }
0x239: {  	(xrf2) =	vadd.scan.msk.f32 $0xffff, v1;
	v1 =	vpop (erf);
	v7 =	vadd.f32 v7, v55;
	s0 =	smul.f32 s0, s23;
	s23 =	rddreg [dreg:$0xe]  }
0x23a: {  	v1 =	vmul.f32 v1, v8;
	(erf) = vrcp.f32 v6;
	v6 =	vmov s20;
	s18 =	sadd.f32 s23, s19  }
0x23b: {  	s17 =	smul.f32 s14, s14;
	s1 =	sadd.f32 s3, s1;
	(erf) = vrcp.f32 v6;
	v6 =	vbroadcast v9, $0xF  }
0x23c: {  	v56 =	vpop (erf);
	v1 =	vadd.f32 v1, v7;
	s20 =	smul.f32 s4, s4;
	s10 =	sadd.f32 s29, s18  }
0x23d: {  	v7 =	vbroadcast v10, $0xF;
	v6 =	vmul.f32 v56, v6;
	s19 =	smul.f32 $1.562500000e-02, s17;
	v57 =	vmov s0;
	s18 =	rddreg [dreg:$0x11]  }
0x23e: {  	v58 =	vpop (erf);
	(erf) = vrcp.f32 v57;
	s7 =	sadd.f32 s18, s10  }
0x23f: {  	s2 =	smul.f32 $1.562500000e-02, s20;
	v1 =	vadd.f32 v6, v1;
	v6 =	vmul.f32 v58, v7;
	v7 =	vbroadcast v59, $0xF;
	s0 =	ssub.f32 s8, s19  }
0x240: {  	v59 =	vpop (erf);
	s21 =	sadd.f32 s26, s7  }
0x241: {  	s2 =	ssub.f32 s13, s2;
	s23 =	smul.f32 s5, s5;
	v1 =	vadd.f32 v6, v1;
	v6 =	vmul.f32 v59, v7  }
0x242: {  	v7 =	vbroadcast v35, $0xF;
	s0 =	smul.f32 $1.587301680e-02, s0;
	s4 =	sadd.f32 s31, s21  }
0x243: {  	v60 =	vpop (erf);
	s3 =	smul.f32 $1.562500000e-02, s23;
	s31 =	rddreg [dreg:$0xb]  }
0x244: {  	v61 =	vbroadcast v43, $0xF;
	v62, _, _ =	vpop (xrf2);
	v1 =	vadd.f32 v6, v1;
	v7 =	vmul.f32 v60, v7;
	s0 =	sadd.f32 s0, s1;
	s5 =	sadd.s32 $0x1, s31  }
0x245: {  	s24 =	smul.f32 $1.587301680e-02, s2;
	v6 =	vpop (erf);
	s26 =	ssub.f32 s16, s3;
	p0 =	sne.s32 s5, $0x10  }
.Ltmp8:
0x246: {  	v1 =	vadd.f32 v7, v1;
	v7 =	vbroadcast v62, $0xF;
	v6 =	vmul.f32 v6, v61;
	s28 =	sadd.f32 s30, s4;
	(pc) =	sbr.rel @p0 .LBB2_2-.Ltmp8, $4  }
0x247: {  	s0 =	sadd.f32 s24, s0;
	s29 =	smul.f32 $1.587301680e-02, s26;
	v63 =	vpop (erf)  }
0x248: {  	v1 =	vadd.f32 v6, v1;
	v6 =	vmul.f32 v63, v7;
	s30 =	sadd.f32 s25, s28  }
0x249: {  	s1 =	sadd.f32 s29, s0  }
0x24a: {  	s2 =	simm.s32 $0x1;
	v1 =	vadd.f32 v6, v1;
	s0 =	sadd.f32 s22, s30  }
0x24b: {  	v2 =	vlaneseq.u32  }
0x24c: {  	v1 =	vsel vm0, $0x0, v1;
	vm1 =	veq.s32 v2, $0x0  }
0x24d: {  	v1 =	vsel vm1, s1, v1;
	vm1 =	veq.s32 v2, $0x1  }
0x24e: {  	v1 =	vsel vm1, s0, v1  }
0x24f: {  	s7 =	simm.s32 $0x0;
	s28 =	rddreg [dreg:$0x8];
	s29 =	simm.s32 $0xC900;
	[tilespmem:$0xC900] =	vst v1  }
0x250: {  	[hbm4b:s28+s7] =	stream.linear.scatter [tilespmem:s29], [sflag:$0x1], $0x80, $0x38;
	[tilespmem:$0xC980] =	vst v63  }
0x251: {  	_ =	swait.ge [sflag:s2], $0x80  }
0x252: {  	s30 =	rddreg [dreg:$0xa]  }
0x253: {  	s31 =	rddreg [dreg:$0x9];
	s1 =	sadd.s32 $0x1, s30  }
0x254: {  	p0 =	sne.s32 s1, s31  }
.Ltmp9:
0x255: {  	_ = 	snop;
	(pc) =	sbr.rel @p0 .LBB2_1-.Ltmp9, $3  }
0x256: {  	_ =	sdelay $0x1  }
0x257: {  	[sflag:s2] =	ssyncset.done $0x0  }
0x258: {  	[sflag:s2] =	ssyncadd.s32 $0xFFFFFF80  }
0x259: {  	_ =	sfence.sel $0x180000  }
0x25a: {  	[bflag:$0x0] =	sbarrier.arrive $0xFFFF  }
0x25b: {  	_ =	strace $0x90000047  }
0x25c: {  	s0 =	stileid.u32;
	[bflag:$0x2] =	sbarrier.arrive $0xFFFF  }
0x25d: {  	p0 =	sne.s32 s0, $0x0;
	s0 =	rddreg [dreg:$0x4]  }
0x25e: {  	s0 =	sadd.s32 @!p0 $0x100000, s0  }
0x25f: {  	[sflag:s0] =	ssyncadd.tile.s32 @!p0 $0x1;
	_ =	shalt  }
.Lfunc_end2:
_tile_overlayer_lowered:
.L_overlay_start_2:
0x260: {  	(tag) =	ssettag $0x2  }
0x261: {  	s0 =	rddreg [dreg:$0x0];
	s2 =	stileid.u32  }
0x262: {  	s1 =	rddreg [dreg:$0x1];
	p0 =	sne.s32 s2, $0x0  }
0x263: {  	s3 =	rddreg [dreg:$0x2];
	[bflag:$0x3] =	sbarrier.arrive $0xFFFF;
	s2 =	simm.s32 @!p0 $0x1C01  }
0x264: {  	[timem:s3], [sflag:s2] =	dma.local @!p0 [hbm:s0], s1  }
0x265: {  	s0 =	simm.s32 @!p0 $0x1  }
0x266: {  	_ =	swait.ge @!p0 [sflag:s0], s1  }
0x267: {  	s1 =	ssub.s32 @!p0 $0x0, s1;
	[sflag:s0] =	ssyncset.done @!p0 $0x0  }
0x268: {  	[sflag:s0] =	ssyncadd.s32 @!p0 s1  }
0x269: {  	[bflag:$0x3] =	sbarrier.arrive $0xFFFF  }
0x26a: {  	_ =	shalt  }

</sc_bundles>
